<compile_context>
chip_gen: v7x
topology: tpu7x:2x2x1
jax: 0.10.2.dev20260603
libtpu: 0.0.44.dev20260713+nightly
codegen_flags: <defaults>
</compile_context>

<pallas_src>
import jax
import jax.numpy as jnp
from jax import lax
from jax.experimental import pallas as pl
from jax.experimental.pallas import tpu as pltpu
from jax.experimental.pallas import tpu_sc as plsc

_C = 64
_M = 256
_N = 256
_T = 2048
_NC = 2
_NS = 16
_NW = _NC * _NS
_CHUNK = _T // _NW
_TT = 64
_NT = _T // _TT + _C // 2
_PAD = _NT * _TT


def _worker_id():
    return lax.axis_index("s") * _NC + lax.axis_index("c")


def _tcroute_body(inds_ref, slot_ref, texp_ref):
    iv = inds_ref[...].reshape(_T, 1)
    onehot = (lax.broadcasted_iota(jnp.int32, (_T, _C), 1) == iv
              ).astype(jnp.int32)
    incl = onehot
    k = 1
    while k < _T:
        shifted = jnp.concatenate(
            [jnp.zeros((k, _C), jnp.int32), incl[: _T - k, :]], axis=0)
        incl = incl + shifted
        k *= 2
    excl = incl - onehot
    totals = jnp.sum(onehot, axis=0, keepdims=True)
    tiles = (totals + (_TT - 1)) >> 6
    tincl = tiles
    k = 1
    while k < _C:
        shifted = jnp.concatenate(
            [jnp.zeros((1, k), jnp.int32), tincl[:, : _C - k]], axis=1)
        tincl = tincl + shifted
        k *= 2
    texcl = tincl - tiles
    base = texcl * _TT
    slot_ref[...] = jnp.sum(onehot * (excl + base), axis=1).reshape(_T)
    jv = lax.broadcasted_iota(jnp.int32, (_NT, _C), 0)
    texp_ref[...] = (jnp.sum(
        (jnp.broadcast_to(texcl, (_NT, _C)) <= jv).astype(jnp.int32),
        axis=1) - 1).reshape(_NT)


def _scatter_body(slot_hbm, x_hbm, xs_hbm, slot_v, xr_v, sem, sem2):
    wid = _worker_id()
    xcp = pltpu.async_copy(x_hbm.at[pl.ds(wid * _CHUNK, _CHUNK)], xr_v, sem)
    pltpu.async_copy(slot_hbm.at[pl.ds(wid * _CHUNK, _CHUNK)], slot_v,
                     sem2).wait()
    xcp.wait()
    pltpu.async_copy(xr_v, xs_hbm.at[slot_v], sem).wait()


_UNROLL = 16


def _mm_body(texp_ref, xs_ref, w_ref, b_ref, y_ref):
    i0 = pl.program_id(0) * _UNROLL
    for u in range(_UNROLL):
        e = texp_ref[i0 + u]
        xt = xs_ref[pl.ds(u * _TT, _TT), :].astype(jnp.bfloat16)
        wt = w_ref[e].astype(jnp.bfloat16)
        y_ref[pl.ds(u * _TT, _TT), :] = jnp.dot(
            xt, wt, preferred_element_type=jnp.float32) + b_ref[e]


def _unsort_body(slot_hbm, ys_hbm, out_hbm, slot_v, rows_v, sem):
    wid = _worker_id()
    pltpu.sync_copy(slot_hbm.at[pl.ds(wid * _CHUNK, _CHUNK)], slot_v)
    pltpu.async_copy(ys_hbm.at[slot_v], rows_v, sem).wait()
    pltpu.sync_copy(rows_v, out_hbm.at[pl.ds(wid * _CHUNK, _CHUNK)])


def kernel(x, inds, w, b):
    inds32 = inds.astype(jnp.int32)
    mesh = plsc.VectorSubcoreMesh(
        core_axis_name="c", subcore_axis_name="s",
        num_cores=_NC, num_subcores=_NS)

    slot, texp = pl.pallas_call(
        _tcroute_body,
        grid=(1,),
        in_specs=[pl.BlockSpec((_T,), lambda i: (0,))],
        out_specs=[
            pl.BlockSpec((_T,), lambda i: (0,)),
            pl.BlockSpec((_NT,), lambda i: (0,)),
        ],
        out_shape=(
            jax.ShapeDtypeStruct((_T,), jnp.int32),
            jax.ShapeDtypeStruct((_NT,), jnp.int32),
        ),
    )(inds32)

    scatter = pl.kernel(
        _scatter_body,
        out_type=jax.ShapeDtypeStruct((_PAD, _M), jnp.float32),
        mesh=mesh,
        compiler_params=pltpu.CompilerParams(needs_layout_passes=False),
        scratch_types=[
            pltpu.VMEM((_CHUNK,), jnp.int32),
            pltpu.VMEM((_CHUNK, _M), jnp.float32),
            pltpu.SemaphoreType.DMA,
            pltpu.SemaphoreType.DMA,
        ],
    )
    xs = scatter(slot, x)

    ys = pl.pallas_call(
        _mm_body,
        grid_spec=pltpu.PrefetchScalarGridSpec(
            num_scalar_prefetch=1,
            grid=(_NT // _UNROLL,),
            in_specs=[
                pl.BlockSpec((_UNROLL * _TT, _M), lambda i, te: (i, 0)),
                pl.BlockSpec((_C, _M, _N), lambda i, te: (0, 0, 0)),
                pl.BlockSpec((_C, 1, _N), lambda i, te: (0, 0, 0)),
            ],
            out_specs=pl.BlockSpec((_UNROLL * _TT, _N), lambda i, te: (i, 0)),
        ),
        out_shape=jax.ShapeDtypeStruct((_PAD, _N), jnp.float32),
    )(texp, xs, w, b)

    unsort = pl.kernel(
        _unsort_body,
        out_type=jax.ShapeDtypeStruct((_T, _N), jnp.float32),
        mesh=mesh,
        compiler_params=pltpu.CompilerParams(needs_layout_passes=False),
        scratch_types=[
            pltpu.VMEM((_CHUNK,), jnp.int32),
            pltpu.VMEM((_CHUNK, _N), jnp.float32),
            pltpu.SemaphoreType.DMA,
        ],
    )
    return unsort(slot, ys)

# --- scband reference (transcript-rebuilt; emitter-appended) ---
"""Pipeline reference for scband-ref-cond-mul-13039520711162 (READ-ONLY COPY).

The authoritative reference and input builder live on the scoring server;
editing this copy changes nothing except your own understanding.
"""

import jax, jax.numpy as jnp
import numpy as np

CLASSES = 64
M = 256
N = 256
TOKENS = 2048


def setup_inputs(seed: int = 0) -> dict:
    key = jax.random.key(seed)
    k_x, k_i, k_w, k_b = jax.random.split(key, 4)
    x = jax.random.normal(k_x, (TOKENS, M), dtype=jnp.float32)
    inds = jax.random.randint(k_i, (TOKENS,), 0, CLASSES, dtype=jnp.int64)
    w = jax.random.normal(k_w, (CLASSES, M, N), dtype=jnp.float32)
    b = jax.random.normal(k_b, (CLASSES, 1, N), dtype=jnp.float32)
    return {"x": x, "inds": inds, "w": w, "b": b}


def reference(x, inds, w, b):
    # Faithful translation of RefCondMul.forward
    old_shape = list(x.shape)
    x_t = jnp.swapaxes(x, 1, x.ndim - 1)  # identity for 2D input
    old_shape_2 = list(x_t.shape)
    x_r = x_t.reshape((-1, 1, M))
    inds_f = inds.flatten().astype(jnp.int64)
    b_g = jnp.take(b, inds_f, axis=0)  # [T, 1, N]
    w_g = jnp.take(w, inds_f, axis=0)  # [T, M, N]
    out = jnp.matmul(x_r, w_g) + b_g   # [T, 1, N]
    old_shape_2[-1] = N
    out = out.reshape(old_shape_2)
    out = jnp.swapaxes(out, 1, out.ndim - 1)
    return out

if __name__ == "__main__":
    import jax
    _d = setup_inputs()
    print(jax.jit(kernel)(*tuple(_d.values())))

</pallas_src>

<mosaic_0001>
#map = affine_map<(d0, d1) -> (0)>
#map1 = affine_map<(d0, d1) -> (0, 0)>
module attributes {stable_mosaic.version = 14 : i64} {
  func.func @_scatter_body(%arg0: i32, %arg1: i32, %arg2: memref<2048xi32, #tpu.memory_space<hbm>>, %arg3: memref<2048x256xf32, #tpu.memory_space<hbm>>, %arg4: memref<4096x256xf32, #tpu.memory_space<hbm>>, %arg5: memref<64xi32, #tpu.memory_space<vmem>>, %arg6: memref<64x256xf32, #tpu.memory_space<vmem>>, %arg7: memref<!tpu.dma_semaphore, #tpu.memory_space<semaphore_mem>>, %arg8: memref<!tpu.dma_semaphore, #tpu.memory_space<semaphore_mem>>) attributes {dimension_semantics = [#tpu.dimension_semantics<core_parallel>, #tpu.dimension_semantics<subcore_parallel>], iteration_bounds = array<i64: 2, 16>, scalar_prefetch = 0 : i64, scratch_operands = 4 : i64, tpu.core_type = #tpu.core_type<sc_vector_subcore>, window_params = [{transform_indices = #map}, {transform_indices = #map1}, {transform_indices = #map1}]} {
    %mul3A = arith.constant 2 : i32
    %mul3A_0 = arith.muli %arg1, %mul3A : i32
    %add3A = arith.addi %mul3A_0, %arg0 : i32
    %mul3A_1 = arith.constant 64 : i32
    %mul3A_2 = arith.muli %add3A, %mul3A_1 : i32
    %dma_start3A = arith.constant 0 : i32
    %dma_start3A_3 = tpu.memref_slice %arg3[%mul3A_2, %dma_start3A] : memref<2048x256xf32, #tpu.memory_space<hbm>> -> memref<64x256xf32, #tpu.memory_space<hbm>>
    %dma_start3A_4 = arith.constant 0 : i32
    %dma_start3A_5 = tpu.memref_slice %arg3[%mul3A_2, %dma_start3A_4] : memref<2048x256xf32, #tpu.memory_space<hbm>> -> memref<64x256xf32, #tpu.memory_space<hbm>>
    tpu.enqueue_dma source(%dma_start3A_5 : memref<64x256xf32, #tpu.memory_space<hbm>>) target(%arg6 : memref<64x256xf32, #tpu.memory_space<vmem>>) target_semaphore(%arg7 : memref<!tpu.dma_semaphore, #tpu.memory_space<semaphore_mem>>)
    %mul3A_6 = arith.constant 64 : i32
    %mul3A_7 = arith.muli %add3A, %mul3A_6 : i32
    %dma_start3A_8 = tpu.memref_slice %arg2[%mul3A_7] : memref<2048xi32, #tpu.memory_space<hbm>> -> memref<64xi32, #tpu.memory_space<hbm>>
    %dma_start3A_9 = tpu.memref_slice %arg2[%mul3A_7] : memref<2048xi32, #tpu.memory_space<hbm>> -> memref<64xi32, #tpu.memory_space<hbm>>
    tpu.enqueue_dma source(%dma_start3A_9 : memref<64xi32, #tpu.memory_space<hbm>>) target(%arg5 : memref<64xi32, #tpu.memory_space<vmem>>) target_semaphore(%arg8 : memref<!tpu.dma_semaphore, #tpu.memory_space<semaphore_mem>>)
    %dma_wait3A = tpu.memref_slice %arg2[%mul3A_7] : memref<2048xi32, #tpu.memory_space<hbm>> -> memref<64xi32, #tpu.memory_space<hbm>>
    %dma_wait3A_10 = tpu.memref_slice %arg2[%mul3A_7] : memref<2048xi32, #tpu.memory_space<hbm>> -> memref<64xi32, #tpu.memory_space<hbm>>
    tpu.wait_dma2 semaphore(%arg8 : memref<!tpu.dma_semaphore, #tpu.memory_space<semaphore_mem>>) src(%dma_wait3A_10 : memref<64xi32, #tpu.memory_space<hbm>>) dst(%arg5 : memref<64xi32, #tpu.memory_space<vmem>>)
    %dma_wait3A_11 = arith.constant 0 : i32
    %dma_wait3A_12 = tpu.memref_slice %arg3[%mul3A_2, %dma_wait3A_11] : memref<2048x256xf32, #tpu.memory_space<hbm>> -> memref<64x256xf32, #tpu.memory_space<hbm>>
    %dma_wait3A_13 = arith.constant 0 : i32
    %dma_wait3A_14 = tpu.memref_slice %arg3[%mul3A_2, %dma_wait3A_13] : memref<2048x256xf32, #tpu.memory_space<hbm>> -> memref<64x256xf32, #tpu.memory_space<hbm>>
    tpu.wait_dma2 semaphore(%arg7 : memref<!tpu.dma_semaphore, #tpu.memory_space<semaphore_mem>>) src(%dma_wait3A_14 : memref<64x256xf32, #tpu.memory_space<hbm>>) dst(%arg6 : memref<64x256xf32, #tpu.memory_space<vmem>>)
    %dma_start3A_15 = arith.constant 0 : i32
    %dma_start3A_16 = arith.constant 0 : i32
    %dma_start3A_17 = tpu.memref_slice %arg4[%dma_start3A_15, %dma_start3A_16] : memref<4096x256xf32, #tpu.memory_space<hbm>> -> memref<4096x256xf32, #tpu.memory_space<hbm>>
    tpu.enqueue_indirect_dma source(%arg6 : memref<64x256xf32, #tpu.memory_space<vmem>>) target(%dma_start3A_17 : memref<4096x256xf32, #tpu.memory_space<hbm>>) offsets(%arg5 : memref<64xi32, #tpu.memory_space<vmem>>) semaphore(%arg7 : memref<!tpu.dma_semaphore, #tpu.memory_space<semaphore_mem>>)
    %dma_wait3A_18 = arith.constant 0 : i32
    %dma_wait3A_19 = arith.constant 0 : i32
    %dma_wait3A_20 = tpu.memref_slice %arg4[%dma_wait3A_18, %dma_wait3A_19] : memref<4096x256xf32, #tpu.memory_space<hbm>> -> memref<4096x256xf32, #tpu.memory_space<hbm>>
    tpu.wait_indirect_dma semaphore(%arg7 : memref<!tpu.dma_semaphore, #tpu.memory_space<semaphore_mem>>) src(%arg6 : memref<64x256xf32, #tpu.memory_space<vmem>>) dst(%dma_wait3A_20 : memref<4096x256xf32, #tpu.memory_space<hbm>>)
    return
  }
}

#map = affine_map<(d0, d1) -> (0)>
#map1 = affine_map<(d0, d1) -> (0, 0)>
module attributes {stable_mosaic.version = 14 : i64} {
  func.func @_unsort_body(%arg0: i32, %arg1: i32, %arg2: memref<2048xi32, #tpu.memory_space<hbm>>, %arg3: memref<4096x256xf32, #tpu.memory_space<hbm>>, %arg4: memref<2048x256xf32, #tpu.memory_space<hbm>>, %arg5: memref<64xi32, #tpu.memory_space<vmem>>, %arg6: memref<64x256xf32, #tpu.memory_space<vmem>>, %arg7: memref<!tpu.dma_semaphore, #tpu.memory_space<semaphore_mem>>) attributes {dimension_semantics = [#tpu.dimension_semantics<core_parallel>, #tpu.dimension_semantics<subcore_parallel>], iteration_bounds = array<i64: 2, 16>, scalar_prefetch = 0 : i64, scratch_operands = 3 : i64, tpu.core_type = #tpu.core_type<sc_vector_subcore>, window_params = [{transform_indices = #map}, {transform_indices = #map1}, {transform_indices = #map1}]} {
    %mul3A = arith.constant 2 : i32
    %mul3A_0 = arith.muli %arg1, %mul3A : i32
    %add3A = arith.addi %mul3A_0, %arg0 : i32
    %mul3A_1 = arith.constant 64 : i32
    %mul3A_2 = arith.muli %add3A, %mul3A_1 : i32
    "tpu.region"() ({
      %run_scoped3A = tpu.sem_alloc : memref<!tpu.dma_semaphore, #tpu.memory_space<semaphore_mem>>
      %dma_start3A_9 = tpu.memref_slice %arg2[%mul3A_2] : memref<2048xi32, #tpu.memory_space<hbm>> -> memref<64xi32, #tpu.memory_space<hbm>>
      %dma_start3A_10 = tpu.memref_slice %arg2[%mul3A_2] : memref<2048xi32, #tpu.memory_space<hbm>> -> memref<64xi32, #tpu.memory_space<hbm>>
      tpu.enqueue_dma source(%dma_start3A_10 : memref<64xi32, #tpu.memory_space<hbm>>) target(%arg5 : memref<64xi32, #tpu.memory_space<vmem>>) target_semaphore(%run_scoped3A : memref<!tpu.dma_semaphore, #tpu.memory_space<semaphore_mem>>)
      %dma_wait3A_11 = tpu.memref_slice %arg2[%mul3A_2] : memref<2048xi32, #tpu.memory_space<hbm>> -> memref<64xi32, #tpu.memory_space<hbm>>
      %dma_wait3A_12 = tpu.memref_slice %arg2[%mul3A_2] : memref<2048xi32, #tpu.memory_space<hbm>> -> memref<64xi32, #tpu.memory_space<hbm>>
      tpu.wait_dma2 semaphore(%run_scoped3A : memref<!tpu.dma_semaphore, #tpu.memory_space<semaphore_mem>>) src(%dma_wait3A_12 : memref<64xi32, #tpu.memory_space<hbm>>) dst(%arg5 : memref<64xi32, #tpu.memory_space<vmem>>)
      tpu.yield
    }) : () -> ()
    %dma_start3A = arith.constant 0 : i32
    %dma_start3A_3 = arith.constant 0 : i32
    %dma_start3A_4 = tpu.memref_slice %arg3[%dma_start3A, %dma_start3A_3] : memref<4096x256xf32, #tpu.memory_space<hbm>> -> memref<4096x256xf32, #tpu.memory_space<hbm>>
    tpu.enqueue_indirect_dma source(%dma_start3A_4 : memref<4096x256xf32, #tpu.memory_space<hbm>>) target(%arg6 : memref<64x256xf32, #tpu.memory_space<vmem>>) offsets(%arg5 : memref<64xi32, #tpu.memory_space<vmem>>) semaphore(%arg7 : memref<!tpu.dma_semaphore, #tpu.memory_space<semaphore_mem>>)
    %dma_wait3A = arith.constant 0 : i32
    %dma_wait3A_5 = arith.constant 0 : i32
    %dma_wait3A_6 = tpu.memref_slice %arg3[%dma_wait3A, %dma_wait3A_5] : memref<4096x256xf32, #tpu.memory_space<hbm>> -> memref<4096x256xf32, #tpu.memory_space<hbm>>
    tpu.wait_indirect_dma semaphore(%arg7 : memref<!tpu.dma_semaphore, #tpu.memory_space<semaphore_mem>>) src(%dma_wait3A_6 : memref<4096x256xf32, #tpu.memory_space<hbm>>) dst(%arg6 : memref<64x256xf32, #tpu.memory_space<vmem>>)
    %mul3A_7 = arith.constant 64 : i32
    %mul3A_8 = arith.muli %add3A, %mul3A_7 : i32
    "tpu.region"() ({
      %run_scoped3A = tpu.sem_alloc : memref<!tpu.dma_semaphore, #tpu.memory_space<semaphore_mem>>
      %dma_start3A_9 = arith.constant 0 : i32
      %dma_start3A_10 = tpu.memref_slice %arg4[%mul3A_8, %dma_start3A_9] : memref<2048x256xf32, #tpu.memory_space<hbm>> -> memref<64x256xf32, #tpu.memory_space<hbm>>
      %dma_start3A_11 = arith.constant 0 : i32
      %dma_start3A_12 = tpu.memref_slice %arg4[%mul3A_8, %dma_start3A_11] : memref<2048x256xf32, #tpu.memory_space<hbm>> -> memref<64x256xf32, #tpu.memory_space<hbm>>
      tpu.enqueue_dma source(%arg6 : memref<64x256xf32, #tpu.memory_space<vmem>>) target(%dma_start3A_12 : memref<64x256xf32, #tpu.memory_space<hbm>>) target_semaphore(%run_scoped3A : memref<!tpu.dma_semaphore, #tpu.memory_space<semaphore_mem>>)
      %dma_wait3A_13 = arith.constant 0 : i32
      %dma_wait3A_14 = tpu.memref_slice %arg4[%mul3A_8, %dma_wait3A_13] : memref<2048x256xf32, #tpu.memory_space<hbm>> -> memref<64x256xf32, #tpu.memory_space<hbm>>
      %dma_wait3A_15 = arith.constant 0 : i32
      %dma_wait3A_16 = tpu.memref_slice %arg4[%mul3A_8, %dma_wait3A_15] : memref<2048x256xf32, #tpu.memory_space<hbm>> -> memref<64x256xf32, #tpu.memory_space<hbm>>
      tpu.wait_dma2 semaphore(%run_scoped3A : memref<!tpu.dma_semaphore, #tpu.memory_space<semaphore_mem>>) src(%arg6 : memref<64x256xf32, #tpu.memory_space<vmem>>) dst(%dma_wait3A_16 : memref<64x256xf32, #tpu.memory_space<hbm>>)
      tpu.yield
    }) : () -> ()
    return
  }
}

module attributes {stable_mosaic.version = 14 : i64} {
  func.func @_mm_body(%arg0: i32, %arg1: memref<64xi32, #tpu.memory_space<smem>>, %arg2: memref<1024x256xf32, #tpu.memory_space<vmem>>, %arg3: memref<64x256x256xf32, #tpu.memory_space<vmem>>, %arg4: memref<64x1x256xf32, #tpu.memory_space<vmem>>, %arg5: memref<1024x256xf32, #tpu.memory_space<vmem>>) attributes {dimension_semantics = [#tpu.dimension_semantics<arbitrary>], iteration_bounds = array<i64: 4>, scalar_prefetch = 1 : i64, scratch_operands = 0 : i64, tpu.core_type = #tpu.core_type<tc>, window_params = [{transform_indices = @transform_0, window_bounds = array<i64: 1024, 256>}, {pipeline_mode = #tpu.pipeline_mode<synchronous>, transform_indices = @transform_1, window_bounds = array<i64: 64, 256, 256>}, {pipeline_mode = #tpu.pipeline_mode<synchronous>, transform_indices = @transform_2, window_bounds = array<i64: 64, 1, 256>}, {transform_indices = @transform_3, window_bounds = array<i64: 1024, 256>}]} {
    %mul3A = arith.constant 16 : i32
    %mul3A_0 = arith.muli %arg0, %mul3A : i32
    %add3A = arith.constant 0 : i32
    %add3A_1 = arith.addi %mul3A_0, %add3A : i32
    %get3A = arith.index_cast %add3A_1 : i32 to index
    %get3A_2 = memref.load %arg1[%get3A] : memref<64xi32, #tpu.memory_space<smem>>
    %get3A_3 = arith.constant 0 : index
    %get3A_4 = arith.constant 0 : index
    %get3A_5 = vector.load %arg2[%get3A_3, %get3A_4] : memref<1024x256xf32, #tpu.memory_space<vmem>>, vector<64x256xf32>
    %convert_element_type3A = arith.truncf %get3A_5 : vector<64x256xf32> to vector<64x256xbf16>
    %get3A_6 = arith.index_cast %get3A_2 : i32 to index
    %get3A_7 = arith.constant 0 : index
    %get3A_8 = arith.constant 0 : index
    %get3A_9 = vector.load %arg3[%get3A_6, %get3A_7, %get3A_8] : memref<64x256x256xf32, #tpu.memory_space<vmem>>, vector<1x256x256xf32>
    %get3A_10 = vector.shape_cast %get3A_9 : vector<1x256x256xf32> to vector<256x256xf32>
    %convert_element_type3A_11 = arith.truncf %get3A_10 : vector<256x256xf32> to vector<256x256xbf16>
    %dot_general3A = arith.constant dense<0.000000e+00> : vector<64x256xf32>
    %dot_general3A_12 = tpu.matmul %convert_element_type3A, %convert_element_type3A_11, %dot_general3A {dimension_numbers = #tpu.dot_dimension_numbers<[1], [0], [0], [1], [0, 0, 1, 1], [], []>, transpose_lhs_hint = false} : vector<64x256xbf16>, vector<256x256xbf16>, vector<64x256xf32> -> vector<64x256xf32>
    %get3A_13 = arith.index_cast %get3A_2 : i32 to index
    %get3A_14 = arith.constant 0 : index
    %get3A_15 = arith.constant 0 : index
    %get3A_16 = vector.load %arg4[%get3A_13, %get3A_14, %get3A_15] : memref<64x1x256xf32, #tpu.memory_space<vmem>>, vector<1x1x256xf32>
    %get3A_17 = vector.shape_cast %get3A_16 : vector<1x1x256xf32> to vector<1x256xf32>
    %add3A_18 = vector.broadcast %get3A_17 : vector<1x256xf32> to vector<64x256xf32>
    %add3A_19 = arith.addf %dot_general3A_12, %add3A_18 : vector<64x256xf32>
    %swap3A = arith.constant 0 : index
    %swap3A_20 = arith.constant 0 : index
    %swap3A_21 = vector.load %arg5[%swap3A, %swap3A_20] : memref<1024x256xf32, #tpu.memory_space<vmem>>, vector<64x256xf32>
    tpu.vector_store %arg5[%swap3A, %swap3A_20], %add3A_19 {strides = array<i32>} : memref<1024x256xf32, #tpu.memory_space<vmem>>, vector<64x256xf32>,
    %add3A_22 = arith.constant 1 : i32
    %add3A_23 = arith.addi %mul3A_0, %add3A_22 : i32
    %get3A_24 = arith.index_cast %add3A_23 : i32 to index
    %get3A_25 = memref.load %arg1[%get3A_24] : memref<64xi32, #tpu.memory_space<smem>>
    %get3A_26 = arith.constant 64 : index
    %get3A_27 = arith.constant 0 : index
    %get3A_28 = vector.load %arg2[%get3A_26, %get3A_27] : memref<1024x256xf32, #tpu.memory_space<vmem>>, vector<64x256xf32>
    %convert_element_type3A_29 = arith.truncf %get3A_28 : vector<64x256xf32> to vector<64x256xbf16>
    %get3A_30 = arith.index_cast %get3A_25 : i32 to index
    %get3A_31 = arith.constant 0 : index
    %get3A_32 = arith.constant 0 : index
    %get3A_33 = vector.load %arg3[%get3A_30, %get3A_31, %get3A_32] : memref<64x256x256xf32, #tpu.memory_space<vmem>>, vector<1x256x256xf32>
    %get3A_34 = vector.shape_cast %get3A_33 : vector<1x256x256xf32> to vector<256x256xf32>
    %convert_element_type3A_35 = arith.truncf %get3A_34 : vector<256x256xf32> to vector<256x256xbf16>
    %dot_general3A_36 = arith.constant dense<0.000000e+00> : vector<64x256xf32>
    %dot_general3A_37 = tpu.matmul %convert_element_type3A_29, %convert_element_type3A_35, %dot_general3A_36 {dimension_numbers = #tpu.dot_dimension_numbers<[1], [0], [0], [1], [0, 0, 1, 1], [], []>, transpose_lhs_hint = false} : vector<64x256xbf16>, vector<256x256xbf16>, vector<64x256xf32> -> vector<64x256xf32>
    %get3A_38 = arith.index_cast %get3A_25 : i32 to index
    %get3A_39 = arith.constant 0 : index
    %get3A_40 = arith.constant 0 : index
    %get3A_41 = vector.load %arg4[%get3A_38, %get3A_39, %get3A_40] : memref<64x1x256xf32, #tpu.memory_space<vmem>>, vector<1x1x256xf32>
    %get3A_42 = vector.shape_cast %get3A_41 : vector<1x1x256xf32> to vector<1x256xf32>
    %add3A_43 = vector.broadcast %get3A_42 : vector<1x256xf32> to vector<64x256xf32>
    %add3A_44 = arith.addf %dot_general3A_37, %add3A_43 : vector<64x256xf32>
    %swap3A_45 = arith.constant 64 : index
    %swap3A_46 = arith.constant 0 : index
    %swap3A_47 = vector.load %arg5[%swap3A_45, %swap3A_46] : memref<1024x256xf32, #tpu.memory_space<vmem>>, vector<64x256xf32>
    tpu.vector_store %arg5[%swap3A_45, %swap3A_46], %add3A_44 {strides = array<i32>} : memref<1024x256xf32, #tpu.memory_space<vmem>>, vector<64x256xf32>,
    %add3A_48 = arith.constant 2 : i32
    %add3A_49 = arith.addi %mul3A_0, %add3A_48 : i32
    %get3A_50 = arith.index_cast %add3A_49 : i32 to index
    %get3A_51 = memref.load %arg1[%get3A_50] : memref<64xi32, #tpu.memory_space<smem>>
    %get3A_52 = arith.constant 128 : index
    %get3A_53 = arith.constant 0 : index
    %get3A_54 = vector.load %arg2[%get3A_52, %get3A_53] : memref<1024x256xf32, #tpu.memory_space<vmem>>, vector<64x256xf32>
    %convert_element_type3A_55 = arith.truncf %get3A_54 : vector<64x256xf32> to vector<64x256xbf16>
    %get3A_56 = arith.index_cast %get3A_51 : i32 to index
    %get3A_57 = arith.constant 0 : index
    %get3A_58 = arith.constant 0 : index
    %get3A_59 = vector.load %arg3[%get3A_56, %get3A_57, %get3A_58] : memref<64x256x256xf32, #tpu.memory_space<vmem>>, vector<1x256x256xf32>
    %get3A_60 = vector.shape_cast %get3A_59 : vector<1x256x256xf32> to vector<256x256xf32>
    %convert_element_type3A_61 = arith.truncf %get3A_60 : vector<256x256xf32> to vector<256x256xbf16>
    %dot_general3A_62 = arith.constant dense<0.000000e+00> : vector<64x256xf32>
    %dot_general3A_63 = tpu.matmul %convert_element_type3A_55, %convert_element_type3A_61, %dot_general3A_62 {dimension_numbers = #tpu.dot_dimension_numbers<[1], [0], [0], [1], [0, 0, 1, 1], [], []>, transpose_lhs_hint = false} : vector<64x256xbf16>, vector<256x256xbf16>, vector<64x256xf32> -> vector<64x256xf32>
    %get3A_64 = arith.index_cast %get3A_51 : i32 to index
    %get3A_65 = arith.constant 0 : index
    %get3A_66 = arith.constant 0 : index
    %get3A_67 = vector.load %arg4[%get3A_64, %get3A_65, %get3A_66] : memref<64x1x256xf32, #tpu.memory_space<vmem>>, vector<1x1x256xf32>
    %get3A_68 = vector.shape_cast %get3A_67 : vector<1x1x256xf32> to vector<1x256xf32>
    %add3A_69 = vector.broadcast %get3A_68 : vector<1x256xf32> to vector<64x256xf32>
    %add3A_70 = arith.addf %dot_general3A_63, %add3A_69 : vector<64x256xf32>
    %swap3A_71 = arith.constant 128 : index
    %swap3A_72 = arith.constant 0 : index
    %swap3A_73 = vector.load %arg5[%swap3A_71, %swap3A_72] : memref<1024x256xf32, #tpu.memory_space<vmem>>, vector<64x256xf32>
    tpu.vector_store %arg5[%swap3A_71, %swap3A_72], %add3A_70 {strides = array<i32>} : memref<1024x256xf32, #tpu.memory_space<vmem>>, vector<64x256xf32>,
    %add3A_74 = arith.constant 3 : i32
    %add3A_75 = arith.addi %mul3A_0, %add3A_74 : i32
    %get3A_76 = arith.index_cast %add3A_75 : i32 to index
    %get3A_77 = memref.load %arg1[%get3A_76] : memref<64xi32, #tpu.memory_space<smem>>
    %get3A_78 = arith.constant 192 : index
    %get3A_79 = arith.constant 0 : index
    %get3A_80 = vector.load %arg2[%get3A_78, %get3A_79] : memref<1024x256xf32, #tpu.memory_space<vmem>>, vector<64x256xf32>
    %convert_element_type3A_81 = arith.truncf %get3A_80 : vector<64x256xf32> to vector<64x256xbf16>
    %get3A_82 = arith.index_cast %get3A_77 : i32 to index
    %get3A_83 = arith.constant 0 : index
    %get3A_84 = arith.constant 0 : index
    %get3A_85 = vector.load %arg3[%get3A_82, %get3A_83, %get3A_84] : memref<64x256x256xf32, #tpu.memory_space<vmem>>, vector<1x256x256xf32>
    %get3A_86 = vector.shape_cast %get3A_85 : vector<1x256x256xf32> to vector<256x256xf32>
    %convert_element_type3A_87 = arith.truncf %get3A_86 : vector<256x256xf32> to vector<256x256xbf16>
    %dot_general3A_88 = arith.constant dense<0.000000e+00> : vector<64x256xf32>
    %dot_general3A_89 = tpu.matmul %convert_element_type3A_81, %convert_element_type3A_87, %dot_general3A_88 {dimension_numbers = #tpu.dot_dimension_numbers<[1], [0], [0], [1], [0, 0, 1, 1], [], []>, transpose_lhs_hint = false} : vector<64x256xbf16>, vector<256x256xbf16>, vector<64x256xf32> -> vector<64x256xf32>
    %get3A_90 = arith.index_cast %get3A_77 : i32 to index
    %get3A_91 = arith.constant 0 : index
    %get3A_92 = arith.constant 0 : index
    %get3A_93 = vector.load %arg4[%get3A_90, %get3A_91, %get3A_92] : memref<64x1x256xf32, #tpu.memory_space<vmem>>, vector<1x1x256xf32>
    %get3A_94 = vector.shape_cast %get3A_93 : vector<1x1x256xf32> to vector<1x256xf32>
    %add3A_95 = vector.broadcast %get3A_94 : vector<1x256xf32> to vector<64x256xf32>
    %add3A_96 = arith.addf %dot_general3A_89, %add3A_95 : vector<64x256xf32>
    %swap3A_97 = arith.constant 192 : index
    %swap3A_98 = arith.constant 0 : index
    %swap3A_99 = vector.load %arg5[%swap3A_97, %swap3A_98] : memref<1024x256xf32, #tpu.memory_space<vmem>>, vector<64x256xf32>
    tpu.vector_store %arg5[%swap3A_97, %swap3A_98], %add3A_96 {strides = array<i32>} : memref<1024x256xf32, #tpu.memory_space<vmem>>, vector<64x256xf32>,
    %add3A_100 = arith.constant 4 : i32
    %add3A_101 = arith.addi %mul3A_0, %add3A_100 : i32
    %get3A_102 = arith.index_cast %add3A_101 : i32 to index
    %get3A_103 = memref.load %arg1[%get3A_102] : memref<64xi32, #tpu.memory_space<smem>>
    %get3A_104 = arith.constant 256 : index
    %get3A_105 = arith.constant 0 : index
    %get3A_106 = vector.load %arg2[%get3A_104, %get3A_105] : memref<1024x256xf32, #tpu.memory_space<vmem>>, vector<64x256xf32>
    %convert_element_type3A_107 = arith.truncf %get3A_106 : vector<64x256xf32> to vector<64x256xbf16>
    %get3A_108 = arith.index_cast %get3A_103 : i32 to index
    %get3A_109 = arith.constant 0 : index
    %get3A_110 = arith.constant 0 : index
    %get3A_111 = vector.load %arg3[%get3A_108, %get3A_109, %get3A_110] : memref<64x256x256xf32, #tpu.memory_space<vmem>>, vector<1x256x256xf32>
    %get3A_112 = vector.shape_cast %get3A_111 : vector<1x256x256xf32> to vector<256x256xf32>
    %convert_element_type3A_113 = arith.truncf %get3A_112 : vector<256x256xf32> to vector<256x256xbf16>
    %dot_general3A_114 = arith.constant dense<0.000000e+00> : vector<64x256xf32>
    %dot_general3A_115 = tpu.matmul %convert_element_type3A_107, %convert_element_type3A_113, %dot_general3A_114 {dimension_numbers = #tpu.dot_dimension_numbers<[1], [0], [0], [1], [0, 0, 1, 1], [], []>, transpose_lhs_hint = false} : vector<64x256xbf16>, vector<256x256xbf16>, vector<64x256xf32> -> vector<64x256xf32>
    %get3A_116 = arith.index_cast %get3A_103 : i32 to index
    %get3A_117 = arith.constant 0 : index
    %get3A_118 = arith.constant 0 : index
    %get3A_119 = vector.load %arg4[%get3A_116, %get3A_117, %get3A_118] : memref<64x1x256xf32, #tpu.memory_space<vmem>>, vector<1x1x256xf32>
    %get3A_120 = vector.shape_cast %get3A_119 : vector<1x1x256xf32> to vector<1x256xf32>
    %add3A_121 = vector.broadcast %get3A_120 : vector<1x256xf32> to vector<64x256xf32>
    %add3A_122 = arith.addf %dot_general3A_115, %add3A_121 : vector<64x256xf32>
    %swap3A_123 = arith.constant 256 : index
    %swap3A_124 = arith.constant 0 : index
    %swap3A_125 = vector.load %arg5[%swap3A_123, %swap3A_124] : memref<1024x256xf32, #tpu.memory_space<vmem>>, vector<64x256xf32>
    tpu.vector_store %arg5[%swap3A_123, %swap3A_124], %add3A_122 {strides = array<i32>} : memref<1024x256xf32, #tpu.memory_space<vmem>>, vector<64x256xf32>,
    %add3A_126 = arith.constant 5 : i32
    %add3A_127 = arith.addi %mul3A_0, %add3A_126 : i32
    %get3A_128 = arith.index_cast %add3A_127 : i32 to index
    %get3A_129 = memref.load %arg1[%get3A_128] : memref<64xi32, #tpu.memory_space<smem>>
    %get3A_130 = arith.constant 320 : index
    %get3A_131 = arith.constant 0 : index
    %get3A_132 = vector.load %arg2[%get3A_130, %get3A_131] : memref<1024x256xf32, #tpu.memory_space<vmem>>, vector<64x256xf32>
    %convert_element_type3A_133 = arith.truncf %get3A_132 : vector<64x256xf32> to vector<64x256xbf16>
    %get3A_134 = arith.index_cast %get3A_129 : i32 to index
    %get3A_135 = arith.constant 0 : index
    %get3A_136 = arith.constant 0 : index
    %get3A_137 = vector.load %arg3[%get3A_134, %get3A_135, %get3A_136] : memref<64x256x256xf32, #tpu.memory_space<vmem>>, vector<1x256x256xf32>
    %get3A_138 = vector.shape_cast %get3A_137 : vector<1x256x256xf32> to vector<256x256xf32>
    %convert_element_type3A_139 = arith.truncf %get3A_138 : vector<256x256xf32> to vector<256x256xbf16>
    %dot_general3A_140 = arith.constant dense<0.000000e+00> : vector<64x256xf32>
    %dot_general3A_141 = tpu.matmul %convert_element_type3A_133, %convert_element_type3A_139, %dot_general3A_140 {dimension_numbers = #tpu.dot_dimension_numbers<[1], [0], [0], [1], [0, 0, 1, 1], [], []>, transpose_lhs_hint = false} : vector<64x256xbf16>, vector<256x256xbf16>, vector<64x256xf32> -> vector<64x256xf32>
    %get3A_142 = arith.index_cast %get3A_129 : i32 to index
    %get3A_143 = arith.constant 0 : index
    %get3A_144 = arith.constant 0 : index
    %get3A_145 = vector.load %arg4[%get3A_142, %get3A_143, %get3A_144] : memref<64x1x256xf32, #tpu.memory_space<vmem>>, vector<1x1x256xf32>
    %get3A_146 = vector.shape_cast %get3A_145 : vector<1x1x256xf32> to vector<1x256xf32>
    %add3A_147 = vector.broadcast %get3A_146 : vector<1x256xf32> to vector<64x256xf32>
    %add3A_148 = arith.addf %dot_general3A_141, %add3A_147 : vector<64x256xf32>
    %swap3A_149 = arith.constant 320 : index
    %swap3A_150 = arith.constant 0 : index
    %swap3A_151 = vector.load %arg5[%swap3A_149, %swap3A_150] : memref<1024x256xf32, #tpu.memory_space<vmem>>, vector<64x256xf32>
    tpu.vector_store %arg5[%swap3A_149, %swap3A_150], %add3A_148 {strides = array<i32>} : memref<1024x256xf32, #tpu.memory_space<vmem>>, vector<64x256xf32>,
    %add3A_152 = arith.constant 6 : i32
    %add3A_153 = arith.addi %mul3A_0, %add3A_152 : i32
    %get3A_154 = arith.index_cast %add3A_153 : i32 to index
    %get3A_155 = memref.load %arg1[%get3A_154] : memref<64xi32, #tpu.memory_space<smem>>
    %get3A_156 = arith.constant 384 : index
    %get3A_157 = arith.constant 0 : index
    %get3A_158 = vector.load %arg2[%get3A_156, %get3A_157] : memref<1024x256xf32, #tpu.memory_space<vmem>>, vector<64x256xf32>
    %convert_element_type3A_159 = arith.truncf %get3A_158 : vector<64x256xf32> to vector<64x256xbf16>
    %get3A_160 = arith.index_cast %get3A_155 : i32 to index
    %get3A_161 = arith.constant 0 : index
    %get3A_162 = arith.constant 0 : index
    %get3A_163 = vector.load %arg3[%get3A_160, %get3A_161, %get3A_162] : memref<64x256x256xf32, #tpu.memory_space<vmem>>, vector<1x256x256xf32>
    %get3A_164 = vector.shape_cast %get3A_163 : vector<1x256x256xf32> to vector<256x256xf32>
    %convert_element_type3A_165 = arith.truncf %get3A_164 : vector<256x256xf32> to vector<256x256xbf16>
    %dot_general3A_166 = arith.constant dense<0.000000e+00> : vector<64x256xf32>
    %dot_general3A_167 = tpu.matmul %convert_element_type3A_159, %convert_element_type3A_165, %dot_general3A_166 {dimension_numbers = #tpu.dot_dimension_numbers<[1], [0], [0], [1], [0, 0, 1, 1], [], []>, transpose_lhs_hint = false} : vector<64x256xbf16>, vector<256x256xbf16>, vector<64x256xf32> -> vector<64x256xf32>
    %get3A_168 = arith.index_cast %get3A_155 : i32 to index
    %get3A_169 = arith.constant 0 : index
    %get3A_170 = arith.constant 0 : index
    %get3A_171 = vector.load %arg4[%get3A_168, %get3A_169, %get3A_170] : memref<64x1x256xf32, #tpu.memory_space<vmem>>, vector<1x1x256xf32>
    %get3A_172 = vector.shape_cast %get3A_171 : vector<1x1x256xf32> to vector<1x256xf32>
    %add3A_173 = vector.broadcast %get3A_172 : vector<1x256xf32> to vector<64x256xf32>
    %add3A_174 = arith.addf %dot_general3A_167, %add3A_173 : vector<64x256xf32>
    %swap3A_175 = arith.constant 384 : index
    %swap3A_176 = arith.constant 0 : index
    %swap3A_177 = vector.load %arg5[%swap3A_175, %swap3A_176] : memref<1024x256xf32, #tpu.memory_space<vmem>>, vector<64x256xf32>
    tpu.vector_store %arg5[%swap3A_175, %swap3A_176], %add3A_174 {strides = array<i32>} : memref<1024x256xf32, #tpu.memory_space<vmem>>, vector<64x256xf32>,
    %add3A_178 = arith.constant 7 : i32
    %add3A_179 = arith.addi %mul3A_0, %add3A_178 : i32
    %get3A_180 = arith.index_cast %add3A_179 : i32 to index
    %get3A_181 = memref.load %arg1[%get3A_180] : memref<64xi32, #tpu.memory_space<smem>>
    %get3A_182 = arith.constant 448 : index
    %get3A_183 = arith.constant 0 : index
    %get3A_184 = vector.load %arg2[%get3A_182, %get3A_183] : memref<1024x256xf32, #tpu.memory_space<vmem>>, vector<64x256xf32>
    %convert_element_type3A_185 = arith.truncf %get3A_184 : vector<64x256xf32> to vector<64x256xbf16>
    %get3A_186 = arith.index_cast %get3A_181 : i32 to index
    %get3A_187 = arith.constant 0 : index
    %get3A_188 = arith.constant 0 : index
    %get3A_189 = vector.load %arg3[%get3A_186, %get3A_187, %get3A_188] : memref<64x256x256xf32, #tpu.memory_space<vmem>>, vector<1x256x256xf32>
    %get3A_190 = vector.shape_cast %get3A_189 : vector<1x256x256xf32> to vector<256x256xf32>
    %convert_element_type3A_191 = arith.truncf %get3A_190 : vector<256x256xf32> to vector<256x256xbf16>
    %dot_general3A_192 = arith.constant dense<0.000000e+00> : vector<64x256xf32>
    %dot_general3A_193 = tpu.matmul %convert_element_type3A_185, %convert_element_type3A_191, %dot_general3A_192 {dimension_numbers = #tpu.dot_dimension_numbers<[1], [0], [0], [1], [0, 0, 1, 1], [], []>, transpose_lhs_hint = false} : vector<64x256xbf16>, vector<256x256xbf16>, vector<64x256xf32> -> vector<64x256xf32>
    %get3A_194 = arith.index_cast %get3A_181 : i32 to index
    %get3A_195 = arith.constant 0 : index
    %get3A_196 = arith.constant 0 : index
    %get3A_197 = vector.load %arg4[%get3A_194, %get3A_195, %get3A_196] : memref<64x1x256xf32, #tpu.memory_space<vmem>>, vector<1x1x256xf32>
    %get3A_198 = vector.shape_cast %get3A_197 : vector<1x1x256xf32> to vector<1x256xf32>
    %add3A_199 = vector.broadcast %get3A_198 : vector<1x256xf32> to vector<64x256xf32>
    %add3A_200 = arith.addf %dot_general3A_193, %add3A_199 : vector<64x256xf32>
    %swap3A_201 = arith.constant 448 : index
    %swap3A_202 = arith.constant 0 : index
    %swap3A_203 = vector.load %arg5[%swap3A_201, %swap3A_202] : memref<1024x256xf32, #tpu.memory_space<vmem>>, vector<64x256xf32>
    tpu.vector_store %arg5[%swap3A_201, %swap3A_202], %add3A_200 {strides = array<i32>} : memref<1024x256xf32, #tpu.memory_space<vmem>>, vector<64x256xf32>,
    %add3A_204 = arith.constant 8 : i32
    %add3A_205 = arith.addi %mul3A_0, %add3A_204 : i32
    %get3A_206 = arith.index_cast %add3A_205 : i32 to index
    %get3A_207 = memref.load %arg1[%get3A_206] : memref<64xi32, #tpu.memory_space<smem>>
    %get3A_208 = arith.constant 512 : index
    %get3A_209 = arith.constant 0 : index
    %get3A_210 = vector.load %arg2[%get3A_208, %get3A_209] : memref<1024x256xf32, #tpu.memory_space<vmem>>, vector<64x256xf32>
    %convert_element_type3A_211 = arith.truncf %get3A_210 : vector<64x256xf32> to vector<64x256xbf16>
    %get3A_212 = arith.index_cast %get3A_207 : i32 to index
    %get3A_213 = arith.constant 0 : index
    %get3A_214 = arith.constant 0 : index
    %get3A_215 = vector.load %arg3[%get3A_212, %get3A_213, %get3A_214] : memref<64x256x256xf32, #tpu.memory_space<vmem>>, vector<1x256x256xf32>
    %get3A_216 = vector.shape_cast %get3A_215 : vector<1x256x256xf32> to vector<256x256xf32>
    %convert_element_type3A_217 = arith.truncf %get3A_216 : vector<256x256xf32> to vector<256x256xbf16>
    %dot_general3A_218 = arith.constant dense<0.000000e+00> : vector<64x256xf32>
    %dot_general3A_219 = tpu.matmul %convert_element_type3A_211, %convert_element_type3A_217, %dot_general3A_218 {dimension_numbers = #tpu.dot_dimension_numbers<[1], [0], [0], [1], [0, 0, 1, 1], [], []>, transpose_lhs_hint = false} : vector<64x256xbf16>, vector<256x256xbf16>, vector<64x256xf32> -> vector<64x256xf32>
    %get3A_220 = arith.index_cast %get3A_207 : i32 to index
    %get3A_221 = arith.constant 0 : index
    %get3A_222 = arith.constant 0 : index
    %get3A_223 = vector.load %arg4[%get3A_220, %get3A_221, %get3A_222] : memref<64x1x256xf32, #tpu.memory_space<vmem>>, vector<1x1x256xf32>
    %get3A_224 = vector.shape_cast %get3A_223 : vector<1x1x256xf32> to vector<1x256xf32>
    %add3A_225 = vector.broadcast %get3A_224 : vector<1x256xf32> to vector<64x256xf32>
    %add3A_226 = arith.addf %dot_general3A_219, %add3A_225 : vector<64x256xf32>
    %swap3A_227 = arith.constant 512 : index
    %swap3A_228 = arith.constant 0 : index
    %swap3A_229 = vector.load %arg5[%swap3A_227, %swap3A_228] : memref<1024x256xf32, #tpu.memory_space<vmem>>, vector<64x256xf32>
    tpu.vector_store %arg5[%swap3A_227, %swap3A_228], %add3A_226 {strides = array<i32>} : memref<1024x256xf32, #tpu.memory_space<vmem>>, vector<64x256xf32>,
    %add3A_230 = arith.constant 9 : i32
    %add3A_231 = arith.addi %mul3A_0, %add3A_230 : i32
    %get3A_232 = arith.index_cast %add3A_231 : i32 to index
    %get3A_233 = memref.load %arg1[%get3A_232] : memref<64xi32, #tpu.memory_space<smem>>
    %get3A_234 = arith.constant 576 : index
    %get3A_235 = arith.constant 0 : index
    %get3A_236 = vector.load %arg2[%get3A_234, %get3A_235] : memref<1024x256xf32, #tpu.memory_space<vmem>>, vector<64x256xf32>
    %convert_element_type3A_237 = arith.truncf %get3A_236 : vector<64x256xf32> to vector<64x256xbf16>
    %get3A_238 = arith.index_cast %get3A_233 : i32 to index
    %get3A_239 = arith.constant 0 : index
    %get3A_240 = arith.constant 0 : index
    %get3A_241 = vector.load %arg3[%get3A_238, %get3A_239, %get3A_240] : memref<64x256x256xf32, #tpu.memory_space<vmem>>, vector<1x256x256xf32>
    %get3A_242 = vector.shape_cast %get3A_241 : vector<1x256x256xf32> to vector<256x256xf32>
    %convert_element_type3A_243 = arith.truncf %get3A_242 : vector<256x256xf32> to vector<256x256xbf16>
    %dot_general3A_244 = arith.constant dense<0.000000e+00> : vector<64x256xf32>
    %dot_general3A_245 = tpu.matmul %convert_element_type3A_237, %convert_element_type3A_243, %dot_general3A_244 {dimension_numbers = #tpu.dot_dimension_numbers<[1], [0], [0], [1], [0, 0, 1, 1], [], []>, transpose_lhs_hint = false} : vector<64x256xbf16>, vector<256x256xbf16>, vector<64x256xf32> -> vector<64x256xf32>
    %get3A_246 = arith.index_cast %get3A_233 : i32 to index
    %get3A_247 = arith.constant 0 : index
    %get3A_248 = arith.constant 0 : index
    %get3A_249 = vector.load %arg4[%get3A_246, %get3A_247, %get3A_248] : memref<64x1x256xf32, #tpu.memory_space<vmem>>, vector<1x1x256xf32>
    %get3A_250 = vector.shape_cast %get3A_249 : vector<1x1x256xf32> to vector<1x256xf32>
    %add3A_251 = vector.broadcast %get3A_250 : vector<1x256xf32> to vector<64x256xf32>
    %add3A_252 = arith.addf %dot_general3A_245, %add3A_251 : vector<64x256xf32>
    %swap3A_253 = arith.constant 576 : index
    %swap3A_254 = arith.constant 0 : index
    %swap3A_255 = vector.load %arg5[%swap3A_253, %swap3A_254] : memref<1024x256xf32, #tpu.memory_space<vmem>>, vector<64x256xf32>
    tpu.vector_store %arg5[%swap3A_253, %swap3A_254], %add3A_252 {strides = array<i32>} : memref<1024x256xf32, #tpu.memory_space<vmem>>, vector<64x256xf32>,
    %add3A_256 = arith.constant 10 : i32
    %add3A_257 = arith.addi %mul3A_0, %add3A_256 : i32
    %get3A_258 = arith.index_cast %add3A_257 : i32 to index
    %get3A_259 = memref.load %arg1[%get3A_258] : memref<64xi32, #tpu.memory_space<smem>>
    %get3A_260 = arith.constant 640 : index
    %get3A_261 = arith.constant 0 : index
    %get3A_262 = vector.load %arg2[%get3A_260, %get3A_261] : memref<1024x256xf32, #tpu.memory_space<vmem>>, vector<64x256xf32>
    %convert_element_type3A_263 = arith.truncf %get3A_262 : vector<64x256xf32> to vector<64x256xbf16>
    %get3A_264 = arith.index_cast %get3A_259 : i32 to index
    %get3A_265 = arith.constant 0 : index
    %get3A_266 = arith.constant 0 : index
    %get3A_267 = vector.load %arg3[%get3A_264, %get3A_265, %get3A_266] : memref<64x256x256xf32, #tpu.memory_space<vmem>>, vector<1x256x256xf32>
    %get3A_268 = vector.shape_cast %get3A_267 : vector<1x256x256xf32> to vector<256x256xf32>
    %convert_element_type3A_269 = arith.truncf %get3A_268 : vector<256x256xf32> to vector<256x256xbf16>
    %dot_general3A_270 = arith.constant dense<0.000000e+00> : vector<64x256xf32>
    %dot_general3A_271 = tpu.matmul %convert_element_type3A_263, %convert_element_type3A_269, %dot_general3A_270 {dimension_numbers = #tpu.dot_dimension_numbers<[1], [0], [0], [1], [0, 0, 1, 1], [], []>, transpose_lhs_hint = false} : vector<64x256xbf16>, vector<256x256xbf16>, vector<64x256xf32> -> vector<64x256xf32>
    %get3A_272 = arith.index_cast %get3A_259 : i32 to index
    %get3A_273 = arith.constant 0 : index
    %get3A_274 = arith.constant 0 : index
    %get3A_275 = vector.load %arg4[%get3A_272, %get3A_273, %get3A_274] : memref<64x1x256xf32, #tpu.memory_space<vmem>>, vector<1x1x256xf32>
    %get3A_276 = vector.shape_cast %get3A_275 : vector<1x1x256xf32> to vector<1x256xf32>
    %add3A_277 = vector.broadcast %get3A_276 : vector<1x256xf32> to vector<64x256xf32>
    %add3A_278 = arith.addf %dot_general3A_271, %add3A_277 : vector<64x256xf32>
    %swap3A_279 = arith.constant 640 : index
    %swap3A_280 = arith.constant 0 : index
    %swap3A_281 = vector.load %arg5[%swap3A_279, %swap3A_280] : memref<1024x256xf32, #tpu.memory_space<vmem>>, vector<64x256xf32>
    tpu.vector_store %arg5[%swap3A_279, %swap3A_280], %add3A_278 {strides = array<i32>} : memref<1024x256xf32, #tpu.memory_space<vmem>>, vector<64x256xf32>,
    %add3A_282 = arith.constant 11 : i32
    %add3A_283 = arith.addi %mul3A_0, %add3A_282 : i32
    %get3A_284 = arith.index_cast %add3A_283 : i32 to index
    %get3A_285 = memref.load %arg1[%get3A_284] : memref<64xi32, #tpu.memory_space<smem>>
    %get3A_286 = arith.constant 704 : index
    %get3A_287 = arith.constant 0 : index
    %get3A_288 = vector.load %arg2[%get3A_286, %get3A_287] : memref<1024x256xf32, #tpu.memory_space<vmem>>, vector<64x256xf32>
    %convert_element_type3A_289 = arith.truncf %get3A_288 : vector<64x256xf32> to vector<64x256xbf16>
    %get3A_290 = arith.index_cast %get3A_285 : i32 to index
    %get3A_291 = arith.constant 0 : index
    %get3A_292 = arith.constant 0 : index
    %get3A_293 = vector.load %arg3[%get3A_290, %get3A_291, %get3A_292] : memref<64x256x256xf32, #tpu.memory_space<vmem>>, vector<1x256x256xf32>
    %get3A_294 = vector.shape_cast %get3A_293 : vector<1x256x256xf32> to vector<256x256xf32>
    %convert_element_type3A_295 = arith.truncf %get3A_294 : vector<256x256xf32> to vector<256x256xbf16>
    %dot_general3A_296 = arith.constant dense<0.000000e+00> : vector<64x256xf32>
    %dot_general3A_297 = tpu.matmul %convert_element_type3A_289, %convert_element_type3A_295, %dot_general3A_296 {dimension_numbers = #tpu.dot_dimension_numbers<[1], [0], [0], [1], [0, 0, 1, 1], [], []>, transpose_lhs_hint = false} : vector<64x256xbf16>, vector<256x256xbf16>, vector<64x256xf32> -> vector<64x256xf32>
    %get3A_298 = arith.index_cast %get3A_285 : i32 to index
    %get3A_299 = arith.constant 0 : index
    %get3A_300 = arith.constant 0 : index
    %get3A_301 = vector.load %arg4[%get3A_298, %get3A_299, %get3A_300] : memref<64x1x256xf32, #tpu.memory_space<vmem>>, vector<1x1x256xf32>
    %get3A_302 = vector.shape_cast %get3A_301 : vector<1x1x256xf32> to vector<1x256xf32>
    %add3A_303 = vector.broadcast %get3A_302 : vector<1x256xf32> to vector<64x256xf32>
    %add3A_304 = arith.addf %dot_general3A_297, %add3A_303 : vector<64x256xf32>
    %swap3A_305 = arith.constant 704 : index
    %swap3A_306 = arith.constant 0 : index
    %swap3A_307 = vector.load %arg5[%swap3A_305, %swap3A_306] : memref<1024x256xf32, #tpu.memory_space<vmem>>, vector<64x256xf32>
    tpu.vector_store %arg5[%swap3A_305, %swap3A_306], %add3A_304 {strides = array<i32>} : memref<1024x256xf32, #tpu.memory_space<vmem>>, vector<64x256xf32>,
    %add3A_308 = arith.constant 12 : i32
    %add3A_309 = arith.addi %mul3A_0, %add3A_308 : i32
    %get3A_310 = arith.index_cast %add3A_309 : i32 to index
    %get3A_311 = memref.load %arg1[%get3A_310] : memref<64xi32, #tpu.memory_space<smem>>
    %get3A_312 = arith.constant 768 : index
    %get3A_313 = arith.constant 0 : index
    %get3A_314 = vector.load %arg2[%get3A_312, %get3A_313] : memref<1024x256xf32, #tpu.memory_space<vmem>>, vector<64x256xf32>
    %convert_element_type3A_315 = arith.truncf %get3A_314 : vector<64x256xf32> to vector<64x256xbf16>
    %get3A_316 = arith.index_cast %get3A_311 : i32 to index
    %get3A_317 = arith.constant 0 : index
    %get3A_318 = arith.constant 0 : index
    %get3A_319 = vector.load %arg3[%get3A_316, %get3A_317, %get3A_318] : memref<64x256x256xf32, #tpu.memory_space<vmem>>, vector<1x256x256xf32>
    %get3A_320 = vector.shape_cast %get3A_319 : vector<1x256x256xf32> to vector<256x256xf32>
    %convert_element_type3A_321 = arith.truncf %get3A_320 : vector<256x256xf32> to vector<256x256xbf16>
    %dot_general3A_322 = arith.constant dense<0.000000e+00> : vector<64x256xf32>
    %dot_general3A_323 = tpu.matmul %convert_element_type3A_315, %convert_element_type3A_321, %dot_general3A_322 {dimension_numbers = #tpu.dot_dimension_numbers<[1], [0], [0], [1], [0, 0, 1, 1], [], []>, transpose_lhs_hint = false} : vector<64x256xbf16>, vector<256x256xbf16>, vector<64x256xf32> -> vector<64x256xf32>
    %get3A_324 = arith.index_cast %get3A_311 : i32 to index
    %get3A_325 = arith.constant 0 : index
    %get3A_326 = arith.constant 0 : index
    %get3A_327 = vector.load %arg4[%get3A_324, %get3A_325, %get3A_326] : memref<64x1x256xf32, #tpu.memory_space<vmem>>, vector<1x1x256xf32>
    %get3A_328 = vector.shape_cast %get3A_327 : vector<1x1x256xf32> to vector<1x256xf32>
    %add3A_329 = vector.broadcast %get3A_328 : vector<1x256xf32> to vector<64x256xf32>
    %add3A_330 = arith.addf %dot_general3A_323, %add3A_329 : vector<64x256xf32>
    %swap3A_331 = arith.constant 768 : index
    %swap3A_332 = arith.constant 0 : index
    %swap3A_333 = vector.load %arg5[%swap3A_331, %swap3A_332] : memref<1024x256xf32, #tpu.memory_space<vmem>>, vector<64x256xf32>
    tpu.vector_store %arg5[%swap3A_331, %swap3A_332], %add3A_330 {strides = array<i32>} : memref<1024x256xf32, #tpu.memory_space<vmem>>, vector<64x256xf32>,
    %add3A_334 = arith.constant 13 : i32
    %add3A_335 = arith.addi %mul3A_0, %add3A_334 : i32
    %get3A_336 = arith.index_cast %add3A_335 : i32 to index
    %get3A_337 = memref.load %arg1[%get3A_336] : memref<64xi32, #tpu.memory_space<smem>>
    %get3A_338 = arith.constant 832 : index
    %get3A_339 = arith.constant 0 : index
    %get3A_340 = vector.load %arg2[%get3A_338, %get3A_339] : memref<1024x256xf32, #tpu.memory_space<vmem>>, vector<64x256xf32>
    %convert_element_type3A_341 = arith.truncf %get3A_340 : vector<64x256xf32> to vector<64x256xbf16>
    %get3A_342 = arith.index_cast %get3A_337 : i32 to index
    %get3A_343 = arith.constant 0 : index
    %get3A_344 = arith.constant 0 : index
    %get3A_345 = vector.load %arg3[%get3A_342, %get3A_343, %get3A_344] : memref<64x256x256xf32, #tpu.memory_space<vmem>>, vector<1x256x256xf32>
    %get3A_346 = vector.shape_cast %get3A_345 : vector<1x256x256xf32> to vector<256x256xf32>
    %convert_element_type3A_347 = arith.truncf %get3A_346 : vector<256x256xf32> to vector<256x256xbf16>
    %dot_general3A_348 = arith.constant dense<0.000000e+00> : vector<64x256xf32>
    %dot_general3A_349 = tpu.matmul %convert_element_type3A_341, %convert_element_type3A_347, %dot_general3A_348 {dimension_numbers = #tpu.dot_dimension_numbers<[1], [0], [0], [1], [0, 0, 1, 1], [], []>, transpose_lhs_hint = false} : vector<64x256xbf16>, vector<256x256xbf16>, vector<64x256xf32> -> vector<64x256xf32>
    %get3A_350 = arith.index_cast %get3A_337 : i32 to index
    %get3A_351 = arith.constant 0 : index
    %get3A_352 = arith.constant 0 : index
    %get3A_353 = vector.load %arg4[%get3A_350, %get3A_351, %get3A_352] : memref<64x1x256xf32, #tpu.memory_space<vmem>>, vector<1x1x256xf32>
    %get3A_354 = vector.shape_cast %get3A_353 : vector<1x1x256xf32> to vector<1x256xf32>
    %add3A_355 = vector.broadcast %get3A_354 : vector<1x256xf32> to vector<64x256xf32>
    %add3A_356 = arith.addf %dot_general3A_349, %add3A_355 : vector<64x256xf32>
    %swap3A_357 = arith.constant 832 : index
    %swap3A_358 = arith.constant 0 : index
    %swap3A_359 = vector.load %arg5[%swap3A_357, %swap3A_358] : memref<1024x256xf32, #tpu.memory_space<vmem>>, vector<64x256xf32>
    tpu.vector_store %arg5[%swap3A_357, %swap3A_358], %add3A_356 {strides = array<i32>} : memref<1024x256xf32, #tpu.memory_space<vmem>>, vector<64x256xf32>,
    %add3A_360 = arith.constant 14 : i32
    %add3A_361 = arith.addi %mul3A_0, %add3A_360 : i32
    %get3A_362 = arith.index_cast %add3A_361 : i32 to index
    %get3A_363 = memref.load %arg1[%get3A_362] : memref<64xi32, #tpu.memory_space<smem>>
    %get3A_364 = arith.constant 896 : index
    %get3A_365 = arith.constant 0 : index
    %get3A_366 = vector.load %arg2[%get3A_364, %get3A_365] : memref<1024x256xf32, #tpu.memory_space<vmem>>, vector<64x256xf32>
    %convert_element_type3A_367 = arith.truncf %get3A_366 : vector<64x256xf32> to vector<64x256xbf16>
    %get3A_368 = arith.index_cast %get3A_363 : i32 to index
    %get3A_369 = arith.constant 0 : index
    %get3A_370 = arith.constant 0 : index
    %get3A_371 = vector.load %arg3[%get3A_368, %get3A_369, %get3A_370] : memref<64x256x256xf32, #tpu.memory_space<vmem>>, vector<1x256x256xf32>
    %get3A_372 = vector.shape_cast %get3A_371 : vector<1x256x256xf32> to vector<256x256xf32>
    %convert_element_type3A_373 = arith.truncf %get3A_372 : vector<256x256xf32> to vector<256x256xbf16>
    %dot_general3A_374 = arith.constant dense<0.000000e+00> : vector<64x256xf32>
    %dot_general3A_375 = tpu.matmul %convert_element_type3A_367, %convert_element_type3A_373, %dot_general3A_374 {dimension_numbers = #tpu.dot_dimension_numbers<[1], [0], [0], [1], [0, 0, 1, 1], [], []>, transpose_lhs_hint = false} : vector<64x256xbf16>, vector<256x256xbf16>, vector<64x256xf32> -> vector<64x256xf32>
    %get3A_376 = arith.index_cast %get3A_363 : i32 to index
    %get3A_377 = arith.constant 0 : index
    %get3A_378 = arith.constant 0 : index
    %get3A_379 = vector.load %arg4[%get3A_376, %get3A_377, %get3A_378] : memref<64x1x256xf32, #tpu.memory_space<vmem>>, vector<1x1x256xf32>
    %get3A_380 = vector.shape_cast %get3A_379 : vector<1x1x256xf32> to vector<1x256xf32>
    %add3A_381 = vector.broadcast %get3A_380 : vector<1x256xf32> to vector<64x256xf32>
    %add3A_382 = arith.addf %dot_general3A_375, %add3A_381 : vector<64x256xf32>
    %swap3A_383 = arith.constant 896 : index
    %swap3A_384 = arith.constant 0 : index
    %swap3A_385 = vector.load %arg5[%swap3A_383, %swap3A_384] : memref<1024x256xf32, #tpu.memory_space<vmem>>, vector<64x256xf32>
    tpu.vector_store %arg5[%swap3A_383, %swap3A_384], %add3A_382 {strides = array<i32>} : memref<1024x256xf32, #tpu.memory_space<vmem>>, vector<64x256xf32>,
    %add3A_386 = arith.constant 15 : i32
    %add3A_387 = arith.addi %mul3A_0, %add3A_386 : i32
    %get3A_388 = arith.index_cast %add3A_387 : i32 to index
    %get3A_389 = memref.load %arg1[%get3A_388] : memref<64xi32, #tpu.memory_space<smem>>
    %get3A_390 = arith.constant 960 : index
    %get3A_391 = arith.constant 0 : index
    %get3A_392 = vector.load %arg2[%get3A_390, %get3A_391] : memref<1024x256xf32, #tpu.memory_space<vmem>>, vector<64x256xf32>
    %convert_element_type3A_393 = arith.truncf %get3A_392 : vector<64x256xf32> to vector<64x256xbf16>
    %get3A_394 = arith.index_cast %get3A_389 : i32 to index
    %get3A_395 = arith.constant 0 : index
    %get3A_396 = arith.constant 0 : index
    %get3A_397 = vector.load %arg3[%get3A_394, %get3A_395, %get3A_396] : memref<64x256x256xf32, #tpu.memory_space<vmem>>, vector<1x256x256xf32>
    %get3A_398 = vector.shape_cast %get3A_397 : vector<1x256x256xf32> to vector<256x256xf32>
    %convert_element_type3A_399 = arith.truncf %get3A_398 : vector<256x256xf32> to vector<256x256xbf16>
    %dot_general3A_400 = arith.constant dense<0.000000e+00> : vector<64x256xf32>
    %dot_general3A_401 = tpu.matmul %convert_element_type3A_393, %convert_element_type3A_399, %dot_general3A_400 {dimension_numbers = #tpu.dot_dimension_numbers<[1], [0], [0], [1], [0, 0, 1, 1], [], []>, transpose_lhs_hint = false} : vector<64x256xbf16>, vector<256x256xbf16>, vector<64x256xf32> -> vector<64x256xf32>
    %get3A_402 = arith.index_cast %get3A_389 : i32 to index
    %get3A_403 = arith.constant 0 : index
    %get3A_404 = arith.constant 0 : index
    %get3A_405 = vector.load %arg4[%get3A_402, %get3A_403, %get3A_404] : memref<64x1x256xf32, #tpu.memory_space<vmem>>, vector<1x1x256xf32>
    %get3A_406 = vector.shape_cast %get3A_405 : vector<1x1x256xf32> to vector<1x256xf32>
    %add3A_407 = vector.broadcast %get3A_406 : vector<1x256xf32> to vector<64x256xf32>
    %add3A_408 = arith.addf %dot_general3A_401, %add3A_407 : vector<64x256xf32>
    %swap3A_409 = arith.constant 960 : index
    %swap3A_410 = arith.constant 0 : index
    %swap3A_411 = vector.load %arg5[%swap3A_409, %swap3A_410] : memref<1024x256xf32, #tpu.memory_space<vmem>>, vector<64x256xf32>
    tpu.vector_store %arg5[%swap3A_409, %swap3A_410], %add3A_408 {strides = array<i32>} : memref<1024x256xf32, #tpu.memory_space<vmem>>, vector<64x256xf32>,
    return
  }
  func.func @transform_0(%arg0: i32, %arg1: memref<64xi32, #tpu.memory_space<smem>>) -> (i32, i32) {
    %c0_i32 = arith.constant 0 : i32
    %c0_i32_0 = arith.constant 0 : i32
    return %arg0, %c0_i32 : i32, i32
  }
  func.func @transform_1(%arg0: i32, %arg1: memref<64xi32, #tpu.memory_space<smem>>) -> (i32, i32, i32) {
    %c0_i32 = arith.constant 0 : i32
    %c0_i32_0 = arith.constant 0 : i32
    %c0_i32_1 = arith.constant 0 : i32
    %c0_i32_2 = arith.constant 0 : i32
    return %c0_i32, %c0_i32_0, %c0_i32_1 : i32, i32, i32
  }
  func.func @transform_2(%arg0: i32, %arg1: memref<64xi32, #tpu.memory_space<smem>>) -> (i32, i32, i32) {
    %c0_i32 = arith.constant 0 : i32
    %c0_i32_0 = arith.constant 0 : i32
    %c0_i32_1 = arith.constant 0 : i32
    %c0_i32_2 = arith.constant 0 : i32
    return %c0_i32, %c0_i32_0, %c0_i32_1 : i32, i32, i32
  }
  func.func @transform_3(%arg0: i32, %arg1: memref<64xi32, #tpu.memory_space<smem>>) -> (i32, i32) {
    %c0_i32 = arith.constant 0 : i32
    %c0_i32_0 = arith.constant 0 : i32
    return %arg0, %c0_i32 : i32, i32
  }
}

module attributes {stable_mosaic.version = 14 : i64} {
  func.func @_tcroute_body(%arg0: i32, %arg1: memref<2048xi32, #tpu.memory_space<vmem>>, %arg2: memref<2048xi32, #tpu.memory_space<vmem>>, %arg3: memref<64xi32, #tpu.memory_space<vmem>>) attributes {dimension_semantics = [#tpu.dimension_semantics<arbitrary>], iteration_bounds = array<i64: 1>, scalar_prefetch = 0 : i64, scratch_operands = 0 : i64, tpu.core_type = #tpu.core_type<tc>, window_params = [{pipeline_mode = #tpu.pipeline_mode<synchronous>, transform_indices = @transform_0, window_bounds = array<i64: 2048>}, {pipeline_mode = #tpu.pipeline_mode<synchronous>, transform_indices = @transform_1, window_bounds = array<i64: 2048>}, {pipeline_mode = #tpu.pipeline_mode<synchronous>, transform_indices = @transform_2, window_bounds = array<i64: 64>}]} {
    %get3A = arith.constant 0 : index
    %get3A_0 = vector.load %arg1[%get3A] : memref<2048xi32, #tpu.memory_space<vmem>>, vector<2048xi32>
    %reshape3A = vector.shape_cast %get3A_0 : vector<2048xi32> to vector<2048x1xi32>
    %iota3A = tpu.iota {dimensions = array<i32: 1>} : vector<2048x64xi32>
    %eq3A = vector.broadcast %reshape3A : vector<2048x1xi32> to vector<2048x64xi32>
    %eq3A_1 = arith.cmpi eq, %iota3A, %eq3A : vector<2048x64xi32>
    %convert_element_type3A = arith.extui %eq3A_1 : vector<2048x64xi1> to vector<2048x64xi32>
    %broadcast_in_dim3A = arith.constant 0 : i32
    %broadcast_in_dim3A_2 = vector.broadcast %broadcast_in_dim3A : i32 to vector<1x64xi32>
    %slice3A = vector.extract_strided_slice %convert_element_type3A {offsets = [0, 0], sizes = [2047, 64], strides = [1, 1]} : vector<2048x64xi32> to vector<2047x64xi32>
    %concatenate3A = tpu.concatenate %broadcast_in_dim3A_2, %slice3A in 0 : vector<1x64xi32>, vector<2047x64xi32> -> vector<2048x64xi32>
    %add3A = arith.addi %convert_element_type3A, %concatenate3A : vector<2048x64xi32>
    %broadcast_in_dim3A_3 = arith.constant 0 : i32
    %broadcast_in_dim3A_4 = vector.broadcast %broadcast_in_dim3A_3 : i32 to vector<2x64xi32>
    %slice3A_5 = vector.extract_strided_slice %add3A {offsets = [0, 0], sizes = [2046, 64], strides = [1, 1]} : vector<2048x64xi32> to vector<2046x64xi32>
    %concatenate3A_6 = tpu.concatenate %broadcast_in_dim3A_4, %slice3A_5 in 0 : vector<2x64xi32>, vector<2046x64xi32> -> vector<2048x64xi32>
    %add3A_7 = arith.addi %add3A, %concatenate3A_6 : vector<2048x64xi32>
    %broadcast_in_dim3A_8 = arith.constant 0 : i32
    %broadcast_in_dim3A_9 = vector.broadcast %broadcast_in_dim3A_8 : i32 to vector<4x64xi32>
    %slice3A_10 = vector.extract_strided_slice %add3A_7 {offsets = [0, 0], sizes = [2044, 64], strides = [1, 1]} : vector<2048x64xi32> to vector<2044x64xi32>
    %concatenate3A_11 = tpu.concatenate %broadcast_in_dim3A_9, %slice3A_10 in 0 : vector<4x64xi32>, vector<2044x64xi32> -> vector<2048x64xi32>
    %add3A_12 = arith.addi %add3A_7, %concatenate3A_11 : vector<2048x64xi32>
    %broadcast_in_dim3A_13 = arith.constant 0 : i32
    %broadcast_in_dim3A_14 = vector.broadcast %broadcast_in_dim3A_13 : i32 to vector<8x64xi32>
    %slice3A_15 = vector.extract_strided_slice %add3A_12 {offsets = [0, 0], sizes = [2040, 64], strides = [1, 1]} : vector<2048x64xi32> to vector<2040x64xi32>
    %concatenate3A_16 = tpu.concatenate %broadcast_in_dim3A_14, %slice3A_15 in 0 : vector<8x64xi32>, vector<2040x64xi32> -> vector<2048x64xi32>
    %add3A_17 = arith.addi %add3A_12, %concatenate3A_16 : vector<2048x64xi32>
    %broadcast_in_dim3A_18 = arith.constant 0 : i32
    %broadcast_in_dim3A_19 = vector.broadcast %broadcast_in_dim3A_18 : i32 to vector<16x64xi32>
    %slice3A_20 = vector.extract_strided_slice %add3A_17 {offsets = [0, 0], sizes = [2032, 64], strides = [1, 1]} : vector<2048x64xi32> to vector<2032x64xi32>
    %concatenate3A_21 = tpu.concatenate %broadcast_in_dim3A_19, %slice3A_20 in 0 : vector<16x64xi32>, vector<2032x64xi32> -> vector<2048x64xi32>
    %add3A_22 = arith.addi %add3A_17, %concatenate3A_21 : vector<2048x64xi32>
    %broadcast_in_dim3A_23 = arith.constant 0 : i32
    %broadcast_in_dim3A_24 = vector.broadcast %broadcast_in_dim3A_23 : i32 to vector<32x64xi32>
    %slice3A_25 = vector.extract_strided_slice %add3A_22 {offsets = [0, 0], sizes = [2016, 64], strides = [1, 1]} : vector<2048x64xi32> to vector<2016x64xi32>
    %concatenate3A_26 = tpu.concatenate %broadcast_in_dim3A_24, %slice3A_25 in 0 : vector<32x64xi32>, vector<2016x64xi32> -> vector<2048x64xi32>
    %add3A_27 = arith.addi %add3A_22, %concatenate3A_26 : vector<2048x64xi32>
    %broadcast_in_dim3A_28 = arith.constant 0 : i32
    %broadcast_in_dim3A_29 = vector.broadcast %broadcast_in_dim3A_28 : i32 to vector<64x64xi32>
    %slice3A_30 = vector.extract_strided_slice %add3A_27 {offsets = [0, 0], sizes = [1984, 64], strides = [1, 1]} : vector<2048x64xi32> to vector<1984x64xi32>
    %concatenate3A_31 = tpu.concatenate %broadcast_in_dim3A_29, %slice3A_30 in 0 : vector<64x64xi32>, vector<1984x64xi32> -> vector<2048x64xi32>
    %add3A_32 = arith.addi %add3A_27, %concatenate3A_31 : vector<2048x64xi32>
    %broadcast_in_dim3A_33 = arith.constant 0 : i32
    %broadcast_in_dim3A_34 = vector.broadcast %broadcast_in_dim3A_33 : i32 to vector<128x64xi32>
    %slice3A_35 = vector.extract_strided_slice %add3A_32 {offsets = [0, 0], sizes = [1920, 64], strides = [1, 1]} : vector<2048x64xi32> to vector<1920x64xi32>
    %concatenate3A_36 = tpu.concatenate %broadcast_in_dim3A_34, %slice3A_35 in 0 : vector<128x64xi32>, vector<1920x64xi32> -> vector<2048x64xi32>
    %add3A_37 = arith.addi %add3A_32, %concatenate3A_36 : vector<2048x64xi32>
    %broadcast_in_dim3A_38 = arith.constant 0 : i32
    %broadcast_in_dim3A_39 = vector.broadcast %broadcast_in_dim3A_38 : i32 to vector<256x64xi32>
    %slice3A_40 = vector.extract_strided_slice %add3A_37 {offsets = [0, 0], sizes = [1792, 64], strides = [1, 1]} : vector<2048x64xi32> to vector<1792x64xi32>
    %concatenate3A_41 = tpu.concatenate %broadcast_in_dim3A_39, %slice3A_40 in 0 : vector<256x64xi32>, vector<1792x64xi32> -> vector<2048x64xi32>
    %add3A_42 = arith.addi %add3A_37, %concatenate3A_41 : vector<2048x64xi32>
    %broadcast_in_dim3A_43 = arith.constant 0 : i32
    %broadcast_in_dim3A_44 = vector.broadcast %broadcast_in_dim3A_43 : i32 to vector<512x64xi32>
    %slice3A_45 = vector.extract_strided_slice %add3A_42 {offsets = [0, 0], sizes = [1536, 64], strides = [1, 1]} : vector<2048x64xi32> to vector<1536x64xi32>
    %concatenate3A_46 = tpu.concatenate %broadcast_in_dim3A_44, %slice3A_45 in 0 : vector<512x64xi32>, vector<1536x64xi32> -> vector<2048x64xi32>
    %add3A_47 = arith.addi %add3A_42, %concatenate3A_46 : vector<2048x64xi32>
    %broadcast_in_dim3A_48 = arith.constant 0 : i32
    %broadcast_in_dim3A_49 = vector.broadcast %broadcast_in_dim3A_48 : i32 to vector<1024x64xi32>
    %slice3A_50 = vector.extract_strided_slice %add3A_47 {offsets = [0, 0], sizes = [1024, 64], strides = [1, 1]} : vector<2048x64xi32> to vector<1024x64xi32>
    %concatenate3A_51 = tpu.concatenate %broadcast_in_dim3A_49, %slice3A_50 in 0 : vector<1024x64xi32>, vector<1024x64xi32> -> vector<2048x64xi32>
    %add3A_52 = arith.addi %add3A_47, %concatenate3A_51 : vector<2048x64xi32>
    %sub3A = arith.subi %add3A_52, %convert_element_type3A : vector<2048x64xi32>
    %reduce_sum3A = arith.constant dense<0> : vector<64xi32>
    %reduce_sum3A_53 = vector.multi_reduction <add>, %convert_element_type3A, %reduce_sum3A [0] : vector<2048x64xi32> to vector<64xi32>
    %broadcast_in_dim3A_54 = vector.shape_cast %reduce_sum3A_53 : vector<64xi32> to vector<1x64xi32>
    %add3A_55 = arith.constant 63 : i32
    %add3A_56 = vector.broadcast %add3A_55 : i32 to vector<1x64xi32>
    %add3A_57 = arith.addi %broadcast_in_dim3A_54, %add3A_56 : vector<1x64xi32>
    %shift_right_arithmetic3A = arith.constant 6 : i32
    %shift_right_arithmetic3A_58 = vector.broadcast %shift_right_arithmetic3A : i32 to vector<1x64xi32>
    %shift_right_arithmetic3A_59 = arith.shrsi %add3A_57, %shift_right_arithmetic3A_58 : vector<1x64xi32>
    %broadcast_in_dim3A_60 = arith.constant 0 : i32
    %broadcast_in_dim3A_61 = vector.broadcast %broadcast_in_dim3A_60 : i32 to vector<1x1xi32>
    %slice3A_62 = vector.extract_strided_slice %shift_right_arithmetic3A_59 {offsets = [0, 0], sizes = [1, 63], strides = [1, 1]} : vector<1x64xi32> to vector<1x63xi32>
    %concatenate3A_63 = tpu.concatenate %broadcast_in_dim3A_61, %slice3A_62 in 1 : vector<1x1xi32>, vector<1x63xi32> -> vector<1x64xi32>
    %add3A_64 = arith.addi %shift_right_arithmetic3A_59, %concatenate3A_63 : vector<1x64xi32>
    %broadcast_in_dim3A_65 = arith.constant 0 : i32
    %broadcast_in_dim3A_66 = vector.broadcast %broadcast_in_dim3A_65 : i32 to vector<1x2xi32>
    %slice3A_67 = vector.extract_strided_slice %add3A_64 {offsets = [0, 0], sizes = [1, 62], strides = [1, 1]} : vector<1x64xi32> to vector<1x62xi32>
    %concatenate3A_68 = tpu.concatenate %broadcast_in_dim3A_66, %slice3A_67 in 1 : vector<1x2xi32>, vector<1x62xi32> -> vector<1x64xi32>
    %add3A_69 = arith.addi %add3A_64, %concatenate3A_68 : vector<1x64xi32>
    %broadcast_in_dim3A_70 = arith.constant 0 : i32
    %broadcast_in_dim3A_71 = vector.broadcast %broadcast_in_dim3A_70 : i32 to vector<1x4xi32>
    %slice3A_72 = vector.extract_strided_slice %add3A_69 {offsets = [0, 0], sizes = [1, 60], strides = [1, 1]} : vector<1x64xi32> to vector<1x60xi32>
    %concatenate3A_73 = tpu.concatenate %broadcast_in_dim3A_71, %slice3A_72 in 1 : vector<1x4xi32>, vector<1x60xi32> -> vector<1x64xi32>
    %add3A_74 = arith.addi %add3A_69, %concatenate3A_73 : vector<1x64xi32>
    %broadcast_in_dim3A_75 = arith.constant 0 : i32
    %broadcast_in_dim3A_76 = vector.broadcast %broadcast_in_dim3A_75 : i32 to vector<1x8xi32>
    %slice3A_77 = vector.extract_strided_slice %add3A_74 {offsets = [0, 0], sizes = [1, 56], strides = [1, 1]} : vector<1x64xi32> to vector<1x56xi32>
    %concatenate3A_78 = tpu.concatenate %broadcast_in_dim3A_76, %slice3A_77 in 1 : vector<1x8xi32>, vector<1x56xi32> -> vector<1x64xi32>
    %add3A_79 = arith.addi %add3A_74, %concatenate3A_78 : vector<1x64xi32>
    %broadcast_in_dim3A_80 = arith.constant 0 : i32
    %broadcast_in_dim3A_81 = vector.broadcast %broadcast_in_dim3A_80 : i32 to vector<1x16xi32>
    %slice3A_82 = vector.extract_strided_slice %add3A_79 {offsets = [0, 0], sizes = [1, 48], strides = [1, 1]} : vector<1x64xi32> to vector<1x48xi32>
    %concatenate3A_83 = tpu.concatenate %broadcast_in_dim3A_81, %slice3A_82 in 1 : vector<1x16xi32>, vector<1x48xi32> -> vector<1x64xi32>
    %add3A_84 = arith.addi %add3A_79, %concatenate3A_83 : vector<1x64xi32>
    %broadcast_in_dim3A_85 = arith.constant 0 : i32
    %broadcast_in_dim3A_86 = vector.broadcast %broadcast_in_dim3A_85 : i32 to vector<1x32xi32>
    %slice3A_87 = vector.extract_strided_slice %add3A_84 {offsets = [0, 0], sizes = [1, 32], strides = [1, 1]} : vector<1x64xi32> to vector<1x32xi32>
    %concatenate3A_88 = tpu.concatenate %broadcast_in_dim3A_86, %slice3A_87 in 1 : vector<1x32xi32>, vector<1x32xi32> -> vector<1x64xi32>
    %add3A_89 = arith.addi %add3A_84, %concatenate3A_88 : vector<1x64xi32>
    %sub3A_90 = arith.subi %add3A_89, %shift_right_arithmetic3A_59 : vector<1x64xi32>
    %mul3A = arith.constant 64 : i32
    %mul3A_91 = vector.broadcast %mul3A : i32 to vector<1x64xi32>
    %mul3A_92 = arith.muli %sub3A_90, %mul3A_91 : vector<1x64xi32>
    %add3A_93 = vector.broadcast %mul3A_92 : vector<1x64xi32> to vector<2048x64xi32>
    %add3A_94 = arith.addi %sub3A, %add3A_93 : vector<2048x64xi32>
    %mul3A_95 = arith.muli %convert_element_type3A, %add3A_94 : vector<2048x64xi32>
    %reduce_sum3A_96 = arith.constant dense<0> : vector<2048xi32>
    %reduce_sum3A_97 = vector.multi_reduction <add>, %mul3A_95, %reduce_sum3A_96 [1] : vector<2048x64xi32> to vector<2048xi32>
    %swap3A = arith.constant 0 : index
    %swap3A_98 = vector.load %arg2[%swap3A] : memref<2048xi32, #tpu.memory_space<vmem>>, vector<2048xi32>
    tpu.vector_store %arg2[%swap3A], %reduce_sum3A_97 {strides = array<i32>} : memref<2048xi32, #tpu.memory_space<vmem>>, vector<2048xi32>,
    %iota3A_99 = tpu.iota {dimensions = array<i32: 0>} : vector<64x64xi32>
    %broadcast_in_dim3A_100 = vector.shape_cast %sub3A_90 : vector<1x64xi32> to vector<1x64xi32>
    %broadcast_in_dim3A_101 = vector.broadcast %broadcast_in_dim3A_100 : vector<1x64xi32> to vector<64x64xi32>
    %le3A = arith.cmpi sle, %broadcast_in_dim3A_101, %iota3A_99 : vector<64x64xi32>
    %convert_element_type3A_102 = arith.extui %le3A : vector<64x64xi1> to vector<64x64xi32>
    %reduce_sum3A_103 = arith.constant dense<0> : vector<64xi32>
    %reduce_sum3A_104 = vector.multi_reduction <add>, %convert_element_type3A_102, %reduce_sum3A_103 [1] : vector<64x64xi32> to vector<64xi32>
    %sub3A_105 = arith.constant 1 : i32
    %sub3A_106 = vector.broadcast %sub3A_105 : i32 to vector<64xi32>
    %sub3A_107 = arith.subi %reduce_sum3A_104, %sub3A_106 : vector<64xi32>
    %swap3A_108 = arith.constant 0 : index
    %swap3A_109 = vector.load %arg3[%swap3A_108] : memref<64xi32, #tpu.memory_space<vmem>>, vector<64xi32>
    tpu.vector_store %arg3[%swap3A_108], %sub3A_107 {strides = array<i32>} : memref<64xi32, #tpu.memory_space<vmem>>, vector<64xi32>,
    return
  }
  func.func @transform_0(%arg0: i32) -> i32 {
    %c0_i32 = arith.constant 0 : i32
    %c0_i32_0 = arith.constant 0 : i32
    return %c0_i32 : i32
  }
  func.func @transform_1(%arg0: i32) -> i32 {
    %c0_i32 = arith.constant 0 : i32
    %c0_i32_0 = arith.constant 0 : i32
    return %c0_i32 : i32
  }
  func.func @transform_2(%arg0: i32) -> i32 {
    %c0_i32 = arith.constant 0 : i32
    %c0_i32_0 = arith.constant 0 : i32
    return %c0_i32 : i32
  }
}

</mosaic_0001>

<sc_bundles>
// kernel: kernel.6.cloned.1.call-start
scs
__scs_entry_jumppad:
0x0: {  	(pc) =	sbr.rel $0x88, $3  }
0x1: {  	(tag) =	ssettag $0x0;
	lr =	simm.s32 $0x1  }
0x2: {  	[smem:$0x3F9D] =	sst lr;
	_ =	strace $0xD0000000  }
0x3: {  	_ = 	snop  }
0x4: {  	_ = 	snop  }
0x5: {  	_ = 	snop  }
0x6: {  	_ = 	snop  }
0x7: {  	_ = 	snop  }
__scs_overlays_trampoline_lowered:
0x8: {  	[smem:$0x3FAC] =	sst s0  }
0x9: {  	[smem:$0x3FAD] =	sst s1  }
0xa: {  	[smem:$0x3FAE] =	sst s2  }
0xb: {  	[smem:$0x3FAF] =	sst s3  }
0xc: {  	[smem:$0x3FB0] =	sst s4  }
0xd: {  	[smem:$0x3FB1] =	sst s5  }
0xe: {  	[smem:$0x3FB2] =	sst s6  }
0xf: {  	[smem:$0x3FB3] =	sst s7  }
0x10: {  	[smem:$0x3FB4] =	sst s8  }
0x11: {  	[smem:$0x3FB5] =	sst s9;
	s0 =	simm.s32 @!p0 $0x0  }
0x12: {  	s1 =	sld [smem:$0x3F9B];
	s0 =	simm.s32 @p0 $0x1  }
0x13: {  	[smem:$0x3FB6] =	sst s0;
	s0 =	simm.s32 @!p1 $0x0  }
0x14: {  	s2 =	sld [smem:$0x3F9A];
	s0 =	simm.s32 @p1 $0x1  }
0x15: {  	[smem:$0x3FB7] =	sst s0;
	s0 =	simm.s32 @!p2 $0x0  }
0x16: {  	s3 =	sld [smem:$0x3FDB];
	s0 =	simm.s32 @p2 $0x1  }
0x17: {  	s4 =	simm.s32 $0x1BF5;
	[smem:$0x3FB9] =	sst s0  }
0x18: {  	s0 =	sld [smem:$0x3F9C];
	_ =	swait.ge [sflag:s4], $0x0  }
0x19: {  	s7 =	sld [smem:$0x3F9D]  }
0x1a: {  	s8 =	sadd.s32 $0xFFFFE003, lr  }
0x1b: {  	s9 =	sadd.s32 $0xFFFFFEF7, lr;
	s5 =	simm.s32 $0xFFFFFFFF;
	p2 =	slt.u32 s8, $0xFFFFF086  }
0x1c: {  	p1 =	slt.u32 s9, $0xF7A;
	s5 =	simm.s32 @!p2 $0x0  }
0x1d: {  	s5 =	simm.s32 @p1 $0x1;
	p0 =	seq.s32 s7, s2  }
0x1e: {  	s7 =	smul.u32 @!p0 $0xF7A, s2;
	p2 =	seq.s32 @!p0 s5, $0x0  }
0x1f: {  	s9 =	smul.u32 $0xF7A, s1;
	s8 =	simm.s32 @!p0 $0x1BF5;
	p2 =	por !p2, p0  }
0x20: {  	[sflag:s8] =	ssyncset.s32 @!p0 $0xFFFFF086;
	s6 =	sadd.s32 @!p0 s3, s7;
	s7 =	simm.s32 @!p0 $0x108  }
0x21: {  	s3 =	sadd.s32 s3, s9;
	s6 =	sadd.s32 @!p0 $0x88, s6;
	s7 =	simm.s32 @p2 $0x1082  }
0x22: {  	[simem:s7], [sflag:s8] =	dma.local @!p0 [hbm:s6], $0xF7A  }
0x23: {  	s9 =	sor.u32 $0xD0000000, s2;
	s6 =	simm.s32 $0x108;
	_ =	swait.ge @!p0 [sflag:s8], $0x0  }
0x24: {  	s3 =	sadd.s32 $0x88, s3;
	s6 =	simm.s32 @!p1 $0x1082;
	[sflag:s4] =	ssyncset.s32 $0xFFFFF086  }
0x25: {  	[simem:s6], [sflag:s4] =	dma.local [hbm:s3], $0xF7A  }
0x26: {  	[smem:$0x3F9D] =	sst s1;
	(tag) =	ssettag s2;
	_ =	strace s9  }
0x27: {  	s1 =	sld [smem:$0x3FAD]  }
0x28: {  	s2 =	sld [smem:$0x3FAE]  }
0x29: {  	s4 =	sld [smem:$0x3FB0]  }
0x2a: {  	p0 =	seq.s32 s5, $0x0;
	s5 =	sld [smem:$0x3FB1]  }
0x2b: {  	s6 =	sld [smem:$0x3FB2]  }
0x2c: {  	s7 =	sld [smem:$0x3FB3]  }
0x2d: {  	s3 =	simm.s32 $0x108;
	s8 =	sld [smem:$0x3FB4]  }
0x2e: {  	s3 =	simm.s32 @!p0 $0x1082;
	s9 =	sld [smem:$0x3FB5]  }
0x2f: {  	lr =	sadd.s32 s0, s3;
	s0 =	sld [smem:$0x3FAC]  }
0x30: {  	s3 =	sld [smem:$0x3FAF]  }
0x31: {  	[smem:$0x3FB8] =	sst s10  }
0x32: {  	s10 =	sld [smem:$0x3FB6];
	_ =	sdelay $0x3  }
0x33: {  	p0 =	seq.s32 s10, $0x1;
	s10 =	sld [smem:$0x3FB8];
	_ =	sdelay $0x3  }
0x34: {  	[smem:$0x3FB8] =	sst s10  }
0x35: {  	s10 =	sld [smem:$0x3FB7];
	_ =	sdelay $0x3  }
0x36: {  	p1 =	seq.s32 s10, $0x1;
	s10 =	sld [smem:$0x3FB8];
	_ =	sdelay $0x3  }
0x37: {  	[smem:$0x3FB8] =	sst s10  }
0x38: {  	s10 =	sld [smem:$0x3FB9]  }
0x39: {  	_ = 	snop;
	(pc) =	sbr.ind lr, $3  }
0x3a: {  	_ = 	snop  }
0x3b: {  	_ = 	snop  }
0x3c: {  	p2 =	seq.s32 s10, $0x1;
	s10 =	sld [smem:$0x3FB8]  }
0x3d: {  	_ =	shalt  }
0x3e: {  	_ =	shalt  }
0x3f: {  	_ =	shalt  }
0x40: {  	_ =	shalt  }
0x41: {  	_ =	shalt  }
0x42: {  	_ =	shalt  }
0x43: {  	_ =	shalt  }
0x44: {  	_ =	shalt  }
0x45: {  	_ =	shalt  }
0x46: {  	_ =	shalt  }
0x47: {  	_ =	shalt  }
0x48: {  	_ =	shalt  }
0x49: {  	_ =	shalt  }
0x4a: {  	_ =	shalt  }
0x4b: {  	_ =	shalt  }
0x4c: {  	_ =	shalt  }
0x4d: {  	_ =	shalt  }
0x4e: {  	_ =	shalt  }
0x4f: {  	_ =	shalt  }
0x50: {  	_ =	shalt  }
0x51: {  	_ =	shalt  }
0x52: {  	_ =	shalt  }
0x53: {  	_ =	shalt  }
0x54: {  	_ =	shalt  }
0x55: {  	_ =	shalt  }
0x56: {  	_ =	shalt  }
0x57: {  	_ =	shalt  }
0x58: {  	_ =	shalt  }
0x59: {  	_ =	shalt  }
0x5a: {  	_ =	shalt  }
0x5b: {  	_ =	shalt  }
0x5c: {  	_ =	shalt  }
0x5d: {  	_ =	shalt  }
0x5e: {  	_ =	shalt  }
0x5f: {  	_ =	shalt  }
0x60: {  	_ =	shalt  }
0x61: {  	_ =	shalt  }
0x62: {  	_ =	shalt  }
0x63: {  	_ =	shalt  }
0x64: {  	_ =	shalt  }
0x65: {  	_ =	shalt  }
0x66: {  	_ =	shalt  }
0x67: {  	_ =	shalt  }
0x68: {  	_ =	shalt  }
0x69: {  	_ =	shalt  }
0x6a: {  	_ =	shalt  }
0x6b: {  	_ =	shalt  }
0x6c: {  	_ =	shalt  }
0x6d: {  	_ =	shalt  }
0x6e: {  	_ =	shalt  }
0x6f: {  	_ =	shalt  }
0x70: {  	_ =	shalt  }
0x71: {  	_ =	shalt  }
0x72: {  	_ =	shalt  }
0x73: {  	_ =	shalt  }
0x74: {  	_ =	shalt  }
0x75: {  	_ =	shalt  }
0x76: {  	_ =	shalt  }
0x77: {  	_ =	shalt  }
0x78: {  	_ =	shalt  }
0x79: {  	_ =	shalt  }
0x7a: {  	_ =	shalt  }
0x7b: {  	_ =	shalt  }
0x7c: {  	_ =	shalt  }
0x7d: {  	_ =	shalt  }
0x7e: {  	_ =	shalt  }
0x7f: {  	_ =	shalt  }
0x80: {  	_ =	shalt  }
0x81: {  	_ =	shalt  }
0x82: {  	_ =	shalt  }
0x83: {  	_ =	shalt  }
0x84: {  	_ =	shalt  }
0x85: {  	_ =	shalt  }
0x86: {  	_ =	shalt  }
0x87: {  	_ =	shalt  }
.Lfunc_end0:
.L_simem_size_0:
called_computation_lowered:
.L_overlay_start_0:
0x88: {  	s2 =	sld [smem:$0x3FD9]  }
0x89: {  	s3 =	sld [smem:$0x3FFE];
	_ =	sdelay $0x1  }
0x8a: {  	s1 =	srdreg.scid  }
0x8b: {  	s0 =	sand.u32 $0x1, s1  }
0x8c: {  	s17 =	sshll.u32 s0, $0xA;
	s2 =	sadd.s32 s3, s2  }
0x8d: {  	s2 =	sadd.s32 s2, s17  }
0x8e: {  	[smem:$0x3FC4] =	sst s2  }
0x8f: {  	_ = 	snop  }
0x90: {  	s2 =	sld [smem:$0x3FC9];
	(tm) =	ssettm $0x1  }
0x91: {  	s18 =	sld [smem:$0x3FFB];
	_ =	sdelay $0x3  }
0x92: {  	_ =	strace s18  }
0x93: {  	s3 =	sld [smem:$0x3FFC];
	_ =	sdelay $0x3  }
0x94: {  	_ =	strace s3  }
0x95: {  	s3 =	sld [smem:$0x3FFD];
	_ =	sdelay $0x3  }
0x96: {  	_ =	strace s3  }
0x97: {  	_ =	strace $0x8FFFFFFF  }
0x98: {  	s19 =	sld [smem:$0x3FDB];
	_ =	sdelay $0x1  }
0x99: {  	s4 =	simm.s32 $_scs_section_size  }
0x9a: {  	s5 =	simm.s32 $_size__tile_overlayer_lowered;
	s6 =	simm.s32 $_tile_overlayer_lowered  }
0x9b: {  	s22 =	simm.s32 $0x1BFF;
	s21 =	sshll.u32 s6, $0x1;
	s3 =	sadd.s32 s4, s19  }
0x9c: {  	s7 =	simm.s32 $0x0;
	s20 =	sshll.u32 s5, $0x1;
	s5 =	sadd.s32 s21, s3  }
0x9d: {  	[timem:s7], [sflag:s22] =	dma.local [hbm:s5], s20  }
0x9e: {  	_ =	swait.ge [sflag:s22], s20  }
0x9f: {  	s4 =	ssub.s32 $0x0, s20;
	[sflag:s22] =	ssyncset.done $0x0  }
0xa0: {  	[sflag:s22] =	ssyncadd.s32 s4;
	_ =	sdelay $0x1  }
0xa1: {  	s23 =	simm.s32 $0x1B8B  }
0xa2: {  	_ =	swait.ge [sflag:s23], $0x1  }
0xa3: {  	[sflag:s23] =	ssyncset.done $0x0  }
0xa4: {  	s25 =	simm.s32 $0x1B8E;
	s24 =	sld [smem:$0x3FFE];
	[sflag:s23] =	ssyncadd.s32 $0xFFFFFFFF  }
0xa5: {  	s26 =	simm.s32 $execute0_lowered;
	[smem:$0x3FD2] =	sst s25  }
0xa6: {  	s5 =	sshll.u32 s26, $0x1;
	_ =	strace $0x80000046;
	[dreg:$0x1] =	wrdreg $0xFFFFFFFF  }
0xa7: {  	s28 =	simm.s32 $_size_execute0_lowered;
	s3 =	sadd.s32 s3, s5;
	[dreg:$0x0] =	wrdreg $0x0  }
0xa8: {  	s5 =	sshll.u32 s28, $0x1;
	[dreg:$0x2] =	wrdreg s3  }
0xa9: {  	[dreg:$0x3] =	wrdreg s5  }
0xaa: {  	[dreg:$0x4] =	wrdreg $0xC0  }
0xab: {  	_ =	task [dreg:s7], $0x5FFFF  }
0xac: {  	[dreg:$0x1] =	wrdreg $0xFFFFFFFF  }
0xad: {  	[dreg:$0x0] =	wrdreg $0x60  }
0xae: {  	[dreg:$0x2] =	wrdreg s24  }
0xaf: {  	[dreg:$0x3] =	wrdreg s2  }
0xb0: {  	[dreg:$0x4] =	wrdreg $0x9  }
0xb1: {  	_ =	task.clear_ibuf [dreg:s7], $0x5FFFF;
	_ =	strace $0x90000046  }
0xb2: {  	s29 =	simm.s32 $0x9;
	_ =	strace $0x80000048  }
0xb3: {  	_ =	swait.ge [sflag:s29], $0x1  }
0xb4: {  	[sflag:s29] =	ssyncadd.s32 $0xFFFFFFFF  }
0xb5: {  	_ =	strace $0x90000048  }
0xb6: {  	_ =	sfence  }
0xb7: {  	s30 =	sld [smem:$0x0];
	_ =	sdelay $0x2  }
0xb8: {  	s31 =	sshll.u32 s1, $0xD;
	s1 =	sshrl.u32 s1, $0x2  }
0xb9: {  	s3 =	sand.u32 $0x4000, s31;
	s1 =	sadd.s32 s1, s30  }
0xba: {  	s0 =	sor.u32 s3, s0;
	s1 =	sshll.u32 s1, $0x11  }
0xbb: {  	s0 =	sor.u32 s1, s0  }
0xbc: {  	s0 =	sadd.s32 $0x8F2B, s0  }
0xbd: {  	[sflag:s0] =	ssyncadd.remote.s32 $0x1  }
0xbe: {  	_ =	sfence.sel $0xFFFF  }
0xbf: {  	[dreg:$0x0] =	wrdreg $0xFFFFFFFF;
	(pc) =	sbr.abs _section_cstart, $3  }
0xc0: {  	[dreg:$0x1] =	wrdreg $0xFFFFFFFF  }
0xc1: {  	_ =	task.clear_ibuf [dreg:s7], $0x2FFFF;
	_ =	strace $0x9FFFFFFF  }
0xc2: {  	(tm) =	ssettm $0x7FFFFFFF  }
0xc3: {  	_ =	shalt  }
tec
execute0_lowered:
.L_overlay_start_1:
0x0: {  	(tag) =	ssettag $0x1  }
0x1: {  	s3 =	rddreg [dreg:$0x0]  }
0x2: {  	s4 =	rddreg [dreg:$0x1];
	s2 =	srdreg.scid  }
0x3: {  	s0 =	rddreg [dreg:$0x2];
	s1 =	stileid.u32  }
0x4: {  	s9 =	simm.s32 $0x1;
	s10 =	simm.s32 $0x880;
	s11 =	simm.s32 $0x1080  }
0x5: {  	s12 =	simm.s32 $0x1880;
	s13 =	simm.s32 $0x2080;
	s14 =	simm.s32 $0x2880  }
0x6: {  	s15 =	simm.s32 $0x3080;
	s16 =	simm.s32 $0x3880;
	s5 =	sand.u32 $0x1, s2  }
0x7: {  	s2 =	simm.s32 $0x0;
	s6 =	sshll.u32 s1, $0x7;
	s7 =	sshll.u32 s5, $0x6  }
0x8: {  	[smem:$0x7FF] =	sst s2;
	s5 =	ssub.s32 $0x2, s5;
	s6 =	sor.u32 s7, s6  }
0x9: {  	_ =	strace $0x80000047;
	s8 =	sshrl.u32 s5, $0x1;
	s7 =	sshrl.u32 s6, $0x3  }
0xa: {  	v2 =	vlaneseq.u32;
	s6 =	sshll.u32 s6, $0x5;
	s8 =	ssub.s32 s5, s8;
	s7 =	sadd.s32 s7, s3  }
0xb: {  	vm0 =	vmmov $0xffff;
	v1 =	vshrl.u32 v2, $0x3;
	s3 =	sadd.s32 $0x1600, s3;
	s4 =	sadd.s32 s4, s6;
	s6 =	smax.u32 s8, $0x1  }
0xc: {  	v0 =	vand.u32 $0x7, v2;
	v2 =	vor.u32 $0x8, v2;
	v1 =	vmul.u32 $0x8, v1;
	s8 =	simm.s32 $0x2;
	s5 =	sadd.s32 $0x1400, s7;
	s7 =	simm.s32 $0x80  }
.LBB2_1:
0xd: {  	[tilespmem:s7], [sflag:$0x1] =	stream.linear.gather [hbm4b:s4+s2], $0x4000, $0x38;
	[tilespmem:$0x4080] =	vst v63  }
0xe: {  	_ = 	snop  }
0xf: {  	[tilespmem:s2], [sflag:$0x2] =	stream.linear.gather [hbm4b:s5+s2], $0x40, $0x38;
	[tilespmem:$0x4080] =	vst v63  }
0x10: {  	_ =	swait.ge [sflag:s8], $0x40  }
0x11: {  	[sflag:s8] =	ssyncset.done $0x0  }
0x12: {  	[sflag:s8] =	ssyncadd.s32 $0xFFFFFFC0  }
0x13: {  	_ =	swait.ge [sflag:s9], $0x4000  }
0x14: {  	[sflag:s9] =	ssyncset.done $0x0  }
0x15: {  	[sflag:s9] =	ssyncadd.s32 $0xFFFFC000  }
0x16: {  	v3 =	vld [tilespmem:$0x0];
	_ =	sdelay $0x4  }
0x17: {  	v4 =	vshll.u32 v3, $0x1  }
0x18: {  	v3 =	vand.u32 $0x7, v3;
	v4 =	vand.u32 $0xFFFFFFF0, v4  }
0x19: {  	v3 =	vor.u32 v3, v4  }
0x1a: {  	v4 =	vperm.xlane v3, v0;
	_ =	sdelay $0x1  }
0x1b: {  	v3 =	vperm.xlane v3, v2;
	v4 =	vadd.s32 v1, v4;
	_ =	sdelay $0x1  }
0x1c: {  	v3 =	vadd.s32 v1, v3;
	_ =	sdelay $0x2  }
0x1d: {  	[hbm4b:s3+s2] =	stream.indirect_vreg.scatter [tilespmem:s7], [sflag:$0x1], $0x80, v4, vm0, $0xb8;
	[tilespmem:$0x4080] =	vst v63  }
0x1e: {  	_ = 	snop  }
0x1f: {  	[hbm4b:s3+s2] =	stream.indirect_vreg.scatter [tilespmem:s10], [sflag:$0x1], $0x80, v3, vm0, $0xb8;
	[tilespmem:$0x4080] =	vst v63  }
0x20: {  	v3 =	vld [tilespmem:$0x10];
	_ =	sdelay $0x4  }
0x21: {  	v61 =	vshll.u32 v3, $0x1  }
0x22: {  	v3 =	vand.u32 $0x7, v3;
	v4 =	vand.u32 $0xFFFFFFF0, v61  }
0x23: {  	v3 =	vor.u32 v3, v4  }
0x24: {  	v4 =	vperm.xlane v3, v0;
	_ =	sdelay $0x1  }
0x25: {  	v3 =	vperm.xlane v3, v2;
	v4 =	vadd.s32 v1, v4;
	_ =	sdelay $0x1  }
0x26: {  	v3 =	vadd.s32 v1, v3;
	_ =	sdelay $0x2  }
0x27: {  	[hbm4b:s3+s2] =	stream.indirect_vreg.scatter [tilespmem:s11], [sflag:$0x1], $0x80, v4, vm0, $0xb8;
	[tilespmem:$0x4080] =	vst v63  }
0x28: {  	_ = 	snop  }
0x29: {  	[hbm4b:s3+s2] =	stream.indirect_vreg.scatter [tilespmem:s12], [sflag:$0x1], $0x80, v3, vm0, $0xb8;
	[tilespmem:$0x4080] =	vst v63  }
0x2a: {  	v3 =	vld [tilespmem:$0x20];
	_ =	sdelay $0x4  }
0x2b: {  	v62 =	vshll.u32 v3, $0x1  }
0x2c: {  	v3 =	vand.u32 $0x7, v3;
	v4 =	vand.u32 $0xFFFFFFF0, v62  }
0x2d: {  	v3 =	vor.u32 v3, v4  }
0x2e: {  	v4 =	vperm.xlane v3, v0;
	_ =	sdelay $0x1  }
0x2f: {  	v3 =	vperm.xlane v3, v2;
	v4 =	vadd.s32 v1, v4;
	_ =	sdelay $0x1  }
0x30: {  	v3 =	vadd.s32 v1, v3;
	_ =	sdelay $0x2  }
0x31: {  	[hbm4b:s3+s2] =	stream.indirect_vreg.scatter [tilespmem:s13], [sflag:$0x1], $0x80, v4, vm0, $0xb8;
	[tilespmem:$0x4080] =	vst v63  }
0x32: {  	_ = 	snop  }
0x33: {  	[hbm4b:s3+s2] =	stream.indirect_vreg.scatter [tilespmem:s14], [sflag:$0x1], $0x80, v3, vm0, $0xb8;
	[tilespmem:$0x4080] =	vst v63  }
0x34: {  	v3 =	vld [tilespmem:$0x30];
	_ =	sdelay $0x4  }
0x35: {  	v63 =	vshll.u32 v3, $0x1  }
0x36: {  	v3 =	vand.u32 $0x7, v3;
	v4 =	vand.u32 $0xFFFFFFF0, v63  }
0x37: {  	v3 =	vor.u32 v3, v4  }
0x38: {  	v4 =	vperm.xlane v3, v0;
	_ =	sdelay $0x1  }
0x39: {  	v3 =	vperm.xlane v3, v2;
	v4 =	vadd.s32 v1, v4;
	_ =	sdelay $0x1  }
0x3a: {  	v3 =	vadd.s32 v1, v3;
	_ =	sdelay $0x1  }
0x3b: {  	p0 =	sne.s32 s6, $0x1  }
0x3c: {  	[hbm4b:s3+s2] =	stream.indirect_vreg.scatter [tilespmem:s15], [sflag:$0x1], $0x80, v4, vm0, $0xb8;
	[tilespmem:$0x4080] =	vst v63  }
.Ltmp0:
0x3d: {  	_ = 	snop;
	(pc) =	sbr.rel @p0 .LBB2_1-.Ltmp0, $4  }
0x3e: {  	[hbm4b:s3+s2] =	stream.indirect_vreg.scatter [tilespmem:s16], [sflag:$0x1], $0x80, v3, vm0, $0xb8;
	[tilespmem:$0x4080] =	vst v63  }
0x3f: {  	_ =	swait.ge [sflag:s9], $0x4000  }
0x40: {  	[sflag:s9] =	ssyncset.done $0x0  }
0x41: {  	s6 =	sadd.s32 $0xFFFFFFFF, s6;
	[sflag:s9] =	ssyncadd.s32 $0xFFFFC000  }
0x42: {  	_ =	sfence.sel $0x180000  }
0x43: {  	[bflag:$0x0] =	sbarrier.arrive $0xFFFF  }
0x44: {  	p0 =	sne.s32 s1, $0x0;
	_ =	strace $0x90000047  }
0x45: {  	s0 =	sadd.s32 @!p0 $0x100000, s0;
	[bflag:$0x2] =	sbarrier.arrive $0xFFFF  }
0x46: {  	[sflag:s0] =	ssyncadd.tile.s32 @!p0 $0x1;
	_ =	shalt  }
.Lfunc_end2:
_tile_overlayer_lowered:
.L_overlay_start_2:
0x47: {  	(tag) =	ssettag $0x2  }
0x48: {  	s0 =	rddreg [dreg:$0x0];
	s2 =	stileid.u32  }
0x49: {  	s1 =	rddreg [dreg:$0x1];
	p0 =	sne.s32 s2, $0x0  }
0x4a: {  	s3 =	rddreg [dreg:$0x2];
	[bflag:$0x3] =	sbarrier.arrive $0xFFFF;
	s2 =	simm.s32 @!p0 $0x1C03  }
0x4b: {  	[timem:s3], [sflag:s2] =	dma.local @!p0 [hbm:s0], s1  }
0x4c: {  	s0 =	simm.s32 @!p0 $0x3  }
0x4d: {  	_ =	swait.ge @!p0 [sflag:s0], s1  }
0x4e: {  	s1 =	ssub.s32 @!p0 $0x0, s1;
	[sflag:s0] =	ssyncset.done @!p0 $0x0  }
0x4f: {  	[sflag:s0] =	ssyncadd.s32 @!p0 s1  }
0x50: {  	[bflag:$0x3] =	sbarrier.arrive $0xFFFF  }
0x51: {  	_ =	shalt  }

// kernel: kernel.9.cloned.1.call-start
scs
__scs_entry_jumppad:
0x0: {  	(pc) =	sbr.rel $0x88, $3  }
0x1: {  	(tag) =	ssettag $0x0;
	lr =	simm.s32 $0x1  }
0x2: {  	[smem:$0x3F9D] =	sst lr;
	_ =	strace $0xD0000000  }
0x3: {  	_ = 	snop  }
0x4: {  	_ = 	snop  }
0x5: {  	_ = 	snop  }
0x6: {  	_ = 	snop  }
0x7: {  	_ = 	snop  }
__scs_overlays_trampoline_lowered:
0x8: {  	[smem:$0x3FAC] =	sst s0  }
0x9: {  	[smem:$0x3FAD] =	sst s1  }
0xa: {  	[smem:$0x3FAE] =	sst s2  }
0xb: {  	[smem:$0x3FAF] =	sst s3  }
0xc: {  	[smem:$0x3FB0] =	sst s4  }
0xd: {  	[smem:$0x3FB1] =	sst s5  }
0xe: {  	[smem:$0x3FB2] =	sst s6  }
0xf: {  	[smem:$0x3FB3] =	sst s7  }
0x10: {  	[smem:$0x3FB4] =	sst s8  }
0x11: {  	[smem:$0x3FB5] =	sst s9;
	s0 =	simm.s32 @!p0 $0x0  }
0x12: {  	s1 =	sld [smem:$0x3F9B];
	s0 =	simm.s32 @p0 $0x1  }
0x13: {  	[smem:$0x3FB6] =	sst s0;
	s0 =	simm.s32 @!p1 $0x0  }
0x14: {  	s2 =	sld [smem:$0x3F9A];
	s0 =	simm.s32 @p1 $0x1  }
0x15: {  	[smem:$0x3FB7] =	sst s0;
	s0 =	simm.s32 @!p2 $0x0  }
0x16: {  	s3 =	sld [smem:$0x3FDB];
	s0 =	simm.s32 @p2 $0x1  }
0x17: {  	s4 =	simm.s32 $0x1BF5;
	[smem:$0x3FB9] =	sst s0  }
0x18: {  	s0 =	sld [smem:$0x3F9C];
	_ =	swait.ge [sflag:s4], $0x0  }
0x19: {  	s7 =	sld [smem:$0x3F9D]  }
0x1a: {  	s8 =	sadd.s32 $0xFFFFE003, lr  }
0x1b: {  	s9 =	sadd.s32 $0xFFFFFEF7, lr;
	s5 =	simm.s32 $0xFFFFFFFF;
	p2 =	slt.u32 s8, $0xFFFFF086  }
0x1c: {  	p1 =	slt.u32 s9, $0xF7A;
	s5 =	simm.s32 @!p2 $0x0  }
0x1d: {  	s5 =	simm.s32 @p1 $0x1;
	p0 =	seq.s32 s7, s2  }
0x1e: {  	s7 =	smul.u32 @!p0 $0xF7A, s2;
	p2 =	seq.s32 @!p0 s5, $0x0  }
0x1f: {  	s9 =	smul.u32 $0xF7A, s1;
	s8 =	simm.s32 @!p0 $0x1BF5;
	p2 =	por !p2, p0  }
0x20: {  	[sflag:s8] =	ssyncset.s32 @!p0 $0xFFFFF086;
	s6 =	sadd.s32 @!p0 s3, s7;
	s7 =	simm.s32 @!p0 $0x108  }
0x21: {  	s3 =	sadd.s32 s3, s9;
	s6 =	sadd.s32 @!p0 $0x88, s6;
	s7 =	simm.s32 @p2 $0x1082  }
0x22: {  	[simem:s7], [sflag:s8] =	dma.local @!p0 [hbm:s6], $0xF7A  }
0x23: {  	s9 =	sor.u32 $0xD0000000, s2;
	s6 =	simm.s32 $0x108;
	_ =	swait.ge @!p0 [sflag:s8], $0x0  }
0x24: {  	s3 =	sadd.s32 $0x88, s3;
	s6 =	simm.s32 @!p1 $0x1082;
	[sflag:s4] =	ssyncset.s32 $0xFFFFF086  }
0x25: {  	[simem:s6], [sflag:s4] =	dma.local [hbm:s3], $0xF7A  }
0x26: {  	[smem:$0x3F9D] =	sst s1;
	(tag) =	ssettag s2;
	_ =	strace s9  }
0x27: {  	s1 =	sld [smem:$0x3FAD]  }
0x28: {  	s2 =	sld [smem:$0x3FAE]  }
0x29: {  	s4 =	sld [smem:$0x3FB0]  }
0x2a: {  	p0 =	seq.s32 s5, $0x0;
	s5 =	sld [smem:$0x3FB1]  }
0x2b: {  	s6 =	sld [smem:$0x3FB2]  }
0x2c: {  	s7 =	sld [smem:$0x3FB3]  }
0x2d: {  	s3 =	simm.s32 $0x108;
	s8 =	sld [smem:$0x3FB4]  }
0x2e: {  	s3 =	simm.s32 @!p0 $0x1082;
	s9 =	sld [smem:$0x3FB5]  }
0x2f: {  	lr =	sadd.s32 s0, s3;
	s0 =	sld [smem:$0x3FAC]  }
0x30: {  	s3 =	sld [smem:$0x3FAF]  }
0x31: {  	[smem:$0x3FB8] =	sst s10  }
0x32: {  	s10 =	sld [smem:$0x3FB6];
	_ =	sdelay $0x3  }
0x33: {  	p0 =	seq.s32 s10, $0x1;
	s10 =	sld [smem:$0x3FB8];
	_ =	sdelay $0x3  }
0x34: {  	[smem:$0x3FB8] =	sst s10  }
0x35: {  	s10 =	sld [smem:$0x3FB7];
	_ =	sdelay $0x3  }
0x36: {  	p1 =	seq.s32 s10, $0x1;
	s10 =	sld [smem:$0x3FB8];
	_ =	sdelay $0x3  }
0x37: {  	[smem:$0x3FB8] =	sst s10  }
0x38: {  	s10 =	sld [smem:$0x3FB9]  }
0x39: {  	_ = 	snop;
	(pc) =	sbr.ind lr, $3  }
0x3a: {  	_ = 	snop  }
0x3b: {  	_ = 	snop  }
0x3c: {  	p2 =	seq.s32 s10, $0x1;
	s10 =	sld [smem:$0x3FB8]  }
0x3d: {  	_ =	shalt  }
0x3e: {  	_ =	shalt  }
0x3f: {  	_ =	shalt  }
0x40: {  	_ =	shalt  }
0x41: {  	_ =	shalt  }
0x42: {  	_ =	shalt  }
0x43: {  	_ =	shalt  }
0x44: {  	_ =	shalt  }
0x45: {  	_ =	shalt  }
0x46: {  	_ =	shalt  }
0x47: {  	_ =	shalt  }
0x48: {  	_ =	shalt  }
0x49: {  	_ =	shalt  }
0x4a: {  	_ =	shalt  }
0x4b: {  	_ =	shalt  }
0x4c: {  	_ =	shalt  }
0x4d: {  	_ =	shalt  }
0x4e: {  	_ =	shalt  }
0x4f: {  	_ =	shalt  }
0x50: {  	_ =	shalt  }
0x51: {  	_ =	shalt  }
0x52: {  	_ =	shalt  }
0x53: {  	_ =	shalt  }
0x54: {  	_ =	shalt  }
0x55: {  	_ =	shalt  }
0x56: {  	_ =	shalt  }
0x57: {  	_ =	shalt  }
0x58: {  	_ =	shalt  }
0x59: {  	_ =	shalt  }
0x5a: {  	_ =	shalt  }
0x5b: {  	_ =	shalt  }
0x5c: {  	_ =	shalt  }
0x5d: {  	_ =	shalt  }
0x5e: {  	_ =	shalt  }
0x5f: {  	_ =	shalt  }
0x60: {  	_ =	shalt  }
0x61: {  	_ =	shalt  }
0x62: {  	_ =	shalt  }
0x63: {  	_ =	shalt  }
0x64: {  	_ =	shalt  }
0x65: {  	_ =	shalt  }
0x66: {  	_ =	shalt  }
0x67: {  	_ =	shalt  }
0x68: {  	_ =	shalt  }
0x69: {  	_ =	shalt  }
0x6a: {  	_ =	shalt  }
0x6b: {  	_ =	shalt  }
0x6c: {  	_ =	shalt  }
0x6d: {  	_ =	shalt  }
0x6e: {  	_ =	shalt  }
0x6f: {  	_ =	shalt  }
0x70: {  	_ =	shalt  }
0x71: {  	_ =	shalt  }
0x72: {  	_ =	shalt  }
0x73: {  	_ =	shalt  }
0x74: {  	_ =	shalt  }
0x75: {  	_ =	shalt  }
0x76: {  	_ =	shalt  }
0x77: {  	_ =	shalt  }
0x78: {  	_ =	shalt  }
0x79: {  	_ =	shalt  }
0x7a: {  	_ =	shalt  }
0x7b: {  	_ =	shalt  }
0x7c: {  	_ =	shalt  }
0x7d: {  	_ =	shalt  }
0x7e: {  	_ =	shalt  }
0x7f: {  	_ =	shalt  }
0x80: {  	_ =	shalt  }
0x81: {  	_ =	shalt  }
0x82: {  	_ =	shalt  }
0x83: {  	_ =	shalt  }
0x84: {  	_ =	shalt  }
0x85: {  	_ =	shalt  }
0x86: {  	_ =	shalt  }
0x87: {  	_ =	shalt  }
.Lfunc_end0:
.L_simem_size_0:
called_computation.1_lowered:
.L_overlay_start_0:
0x88: {  	s2 =	sld [smem:$0x3FD9]  }
0x89: {  	s3 =	sld [smem:$0x3FFE];
	_ =	sdelay $0x1  }
0x8a: {  	s1 =	srdreg.scid  }
0x8b: {  	s0 =	sand.u32 $0x1, s1  }
0x8c: {  	s17 =	sshll.u32 s0, $0xA;
	s2 =	sadd.s32 s3, s2  }
0x8d: {  	s2 =	sadd.s32 s2, s17  }
0x8e: {  	[smem:$0x3FC4] =	sst s2  }
0x8f: {  	_ = 	snop  }
0x90: {  	s2 =	sld [smem:$0x3FD0];
	(tm) =	ssettm $0x1  }
0x91: {  	s18 =	sld [smem:$0x3FFB];
	_ =	sdelay $0x3  }
0x92: {  	_ =	strace s18  }
0x93: {  	s3 =	sld [smem:$0x3FFC];
	_ =	sdelay $0x3  }
0x94: {  	_ =	strace s3  }
0x95: {  	s3 =	sld [smem:$0x3FFD];
	_ =	sdelay $0x3  }
0x96: {  	_ =	strace s3  }
0x97: {  	_ =	strace $0x8FFFFFFF  }
0x98: {  	s19 =	sld [smem:$0x3FDB];
	_ =	sdelay $0x1  }
0x99: {  	s4 =	simm.s32 $_scs_section_size  }
0x9a: {  	s5 =	simm.s32 $_size__tile_overlayer_lowered;
	s6 =	simm.s32 $_tile_overlayer_lowered  }
0x9b: {  	s22 =	simm.s32 $0x1BFF;
	s21 =	sshll.u32 s6, $0x1;
	s3 =	sadd.s32 s4, s19  }
0x9c: {  	s7 =	simm.s32 $0x0;
	s20 =	sshll.u32 s5, $0x1;
	s5 =	sadd.s32 s21, s3  }
0x9d: {  	[timem:s7], [sflag:s22] =	dma.local [hbm:s5], s20  }
0x9e: {  	_ =	swait.ge [sflag:s22], s20  }
0x9f: {  	s4 =	ssub.s32 $0x0, s20;
	[sflag:s22] =	ssyncset.done $0x0  }
0xa0: {  	[sflag:s22] =	ssyncadd.s32 s4;
	_ =	sdelay $0x1  }
0xa1: {  	s23 =	simm.s32 $0x1B8B  }
0xa2: {  	_ =	swait.ge [sflag:s23], $0x1  }
0xa3: {  	[sflag:s23] =	ssyncset.done $0x0  }
0xa4: {  	s25 =	simm.s32 $0x1B8E;
	s24 =	sld [smem:$0x3FFE];
	[sflag:s23] =	ssyncadd.s32 $0xFFFFFFFF  }
0xa5: {  	s26 =	simm.s32 $execute0_lowered;
	[smem:$0x3FD2] =	sst s25  }
0xa6: {  	s5 =	sshll.u32 s26, $0x1;
	_ =	strace $0x80000049;
	[dreg:$0x1] =	wrdreg $0xFFFFFFFF  }
0xa7: {  	s28 =	simm.s32 $_size_execute0_lowered;
	s3 =	sadd.s32 s3, s5;
	[dreg:$0x0] =	wrdreg $0x0  }
0xa8: {  	s5 =	sshll.u32 s28, $0x1;
	[dreg:$0x2] =	wrdreg s3  }
0xa9: {  	[dreg:$0x3] =	wrdreg s5  }
0xaa: {  	[dreg:$0x4] =	wrdreg $0xC0  }
0xab: {  	_ =	task [dreg:s7], $0x5FFFF  }
0xac: {  	[dreg:$0x1] =	wrdreg $0xFFFFFFFF  }
0xad: {  	[dreg:$0x0] =	wrdreg $0x60  }
0xae: {  	[dreg:$0x2] =	wrdreg s24  }
0xaf: {  	[dreg:$0x3] =	wrdreg s2  }
0xb0: {  	[dreg:$0x4] =	wrdreg $0x9  }
0xb1: {  	_ =	task.clear_ibuf [dreg:s7], $0x5FFFF;
	_ =	strace $0x90000049  }
0xb2: {  	s29 =	simm.s32 $0x9;
	_ =	strace $0x8000004B  }
0xb3: {  	_ =	swait.ge [sflag:s29], $0x1  }
0xb4: {  	[sflag:s29] =	ssyncadd.s32 $0xFFFFFFFF  }
0xb5: {  	_ =	strace $0x9000004B  }
0xb6: {  	_ =	sfence  }
0xb7: {  	s30 =	sld [smem:$0x0];
	_ =	sdelay $0x2  }
0xb8: {  	s31 =	sshll.u32 s1, $0xD;
	s1 =	sshrl.u32 s1, $0x2  }
0xb9: {  	s3 =	sand.u32 $0x4000, s31;
	s1 =	sadd.s32 s1, s30  }
0xba: {  	s0 =	sor.u32 s3, s0;
	s1 =	sshll.u32 s1, $0x11  }
0xbb: {  	s0 =	sor.u32 s1, s0  }
0xbc: {  	s0 =	sadd.s32 $0x8F2B, s0  }
0xbd: {  	[sflag:s0] =	ssyncadd.remote.s32 $0x1  }
0xbe: {  	_ =	sfence.sel $0xFFFF  }
0xbf: {  	[dreg:$0x0] =	wrdreg $0xFFFFFFFF;
	(pc) =	sbr.abs _section_cstart, $3  }
0xc0: {  	[dreg:$0x1] =	wrdreg $0xFFFFFFFF  }
0xc1: {  	_ =	task.clear_ibuf [dreg:s7], $0x2FFFF;
	_ =	strace $0x9FFFFFFF  }
0xc2: {  	(tm) =	ssettm $0x7FFFFFFF  }
0xc3: {  	_ =	shalt  }
tec
execute0_lowered:
.L_overlay_start_1:
0x0: {  	(tag) =	ssettag $0x1  }
0x1: {  	s3 =	rddreg [dreg:$0x0]  }
0x2: {  	s5 =	rddreg [dreg:$0x1];
	s2 =	srdreg.scid  }
0x3: {  	s0 =	rddreg [dreg:$0x2];
	s1 =	stileid.u32  }
0x4: {  	s9 =	simm.s32 $0x880;
	s10 =	simm.s32 $0x1080;
	s11 =	simm.s32 $0x1880  }
0x5: {  	s12 =	simm.s32 $0x2080;
	s13 =	simm.s32 $0x2880;
	s14 =	simm.s32 $0x3080  }
0x6: {  	s15 =	simm.s32 $0x3880;
	s16 =	simm.s32 $0x1;
	s4 =	sand.u32 $0x1, s2  }
0x7: {  	s2 =	simm.s32 $0x0;
	s6 =	sshll.u32 s1, $0x7;
	s7 =	sshll.u32 s4, $0x6  }
0x8: {  	[smem:$0x7FF] =	sst s2;
	s4 =	ssub.s32 $0x2, s4;
	s6 =	sor.u32 s7, s6  }
0x9: {  	_ =	strace $0x8000004A;
	s8 =	sshrl.u32 s4, $0x1;
	s7 =	sshrl.u32 s6, $0x3  }
0xa: {  	v2 =	vlaneseq.u32;
	s8 =	ssub.s32 s4, s8;
	s6 =	sshll.u32 s6, $0x5;
	s7 =	sadd.s32 s7, s3  }
0xb: {  	vm0 =	vmmov $0xffff;
	v1 =	vshrl.u32 v2, $0x3;
	s3 =	sadd.s32 $0x1600, s3;
	s5 =	sadd.s32 s5, s6;
	s6 =	smax.u32 s8, $0x1  }
0xc: {  	v0 =	vand.u32 $0x7, v2;
	v2 =	vor.u32 $0x8, v2;
	v1 =	vmul.u32 $0x8, v1;
	s8 =	simm.s32 $0x80;
	s4 =	sadd.s32 $0x1400, s7;
	s7 =	simm.s32 $0x2  }
.LBB2_1:
0xd: {  	[tilespmem:s2], [sflag:$0x2] =	stream.linear.gather [hbm4b:s4+s2], $0x40, $0x38;
	[tilespmem:$0x4080] =	vst v63  }
0xe: {  	_ =	swait.ge [sflag:s7], $0x40  }
0xf: {  	[sflag:s7] =	ssyncset.done $0x0  }
0x10: {  	[sflag:s7] =	ssyncadd.s32 $0xFFFFFFC0  }
0x11: {  	v3 =	vld [tilespmem:$0x0];
	_ =	sdelay $0x4  }
0x12: {  	v4 =	vshll.u32 v3, $0x1  }
0x13: {  	v3 =	vand.u32 $0x7, v3;
	v4 =	vand.u32 $0xFFFFFFF0, v4  }
0x14: {  	v3 =	vor.u32 v3, v4  }
0x15: {  	v4 =	vperm.xlane v3, v0;
	_ =	sdelay $0x1  }
0x16: {  	v3 =	vperm.xlane v3, v2;
	v4 =	vadd.s32 v1, v4;
	_ =	sdelay $0x1  }
0x17: {  	v3 =	vadd.s32 v1, v3;
	_ =	sdelay $0x2  }
0x18: {  	[tilespmem:s8], [sflag:$0x1] =	stream.indirect_vreg.gather [hbm4b:s3+s2], $0x80, v4, vm0, $0xb8;
	[tilespmem:$0x4080] =	vst v63  }
0x19: {  	_ = 	snop  }
0x1a: {  	[tilespmem:s9], [sflag:$0x1] =	stream.indirect_vreg.gather [hbm4b:s3+s2], $0x80, v3, vm0, $0xb8;
	[tilespmem:$0x4080] =	vst v63  }
0x1b: {  	v3 =	vld [tilespmem:$0x10];
	_ =	sdelay $0x4  }
0x1c: {  	v61 =	vshll.u32 v3, $0x1  }
0x1d: {  	v3 =	vand.u32 $0x7, v3;
	v4 =	vand.u32 $0xFFFFFFF0, v61  }
0x1e: {  	v3 =	vor.u32 v3, v4  }
0x1f: {  	v4 =	vperm.xlane v3, v0;
	_ =	sdelay $0x1  }
0x20: {  	v3 =	vperm.xlane v3, v2;
	v4 =	vadd.s32 v1, v4;
	_ =	sdelay $0x1  }
0x21: {  	v3 =	vadd.s32 v1, v3;
	_ =	sdelay $0x2  }
0x22: {  	[tilespmem:s10], [sflag:$0x1] =	stream.indirect_vreg.gather [hbm4b:s3+s2], $0x80, v4, vm0, $0xb8;
	[tilespmem:$0x4080] =	vst v63  }
0x23: {  	_ = 	snop  }
0x24: {  	[tilespmem:s11], [sflag:$0x1] =	stream.indirect_vreg.gather [hbm4b:s3+s2], $0x80, v3, vm0, $0xb8;
	[tilespmem:$0x4080] =	vst v63  }
0x25: {  	v3 =	vld [tilespmem:$0x20];
	_ =	sdelay $0x4  }
0x26: {  	v62 =	vshll.u32 v3, $0x1  }
0x27: {  	v3 =	vand.u32 $0x7, v3;
	v4 =	vand.u32 $0xFFFFFFF0, v62  }
0x28: {  	v3 =	vor.u32 v3, v4  }
0x29: {  	v4 =	vperm.xlane v3, v0;
	_ =	sdelay $0x1  }
0x2a: {  	v3 =	vperm.xlane v3, v2;
	v4 =	vadd.s32 v1, v4;
	_ =	sdelay $0x1  }
0x2b: {  	v3 =	vadd.s32 v1, v3;
	_ =	sdelay $0x2  }
0x2c: {  	[tilespmem:s12], [sflag:$0x1] =	stream.indirect_vreg.gather [hbm4b:s3+s2], $0x80, v4, vm0, $0xb8;
	[tilespmem:$0x4080] =	vst v63  }
0x2d: {  	_ = 	snop  }
0x2e: {  	[tilespmem:s13], [sflag:$0x1] =	stream.indirect_vreg.gather [hbm4b:s3+s2], $0x80, v3, vm0, $0xb8;
	[tilespmem:$0x4080] =	vst v63  }
0x2f: {  	v3 =	vld [tilespmem:$0x30];
	_ =	sdelay $0x4  }
0x30: {  	v63 =	vshll.u32 v3, $0x1  }
0x31: {  	v3 =	vand.u32 $0x7, v3;
	v4 =	vand.u32 $0xFFFFFFF0, v63  }
0x32: {  	v3 =	vor.u32 v3, v4  }
0x33: {  	v4 =	vperm.xlane v3, v0;
	_ =	sdelay $0x1  }
0x34: {  	v3 =	vperm.xlane v3, v2;
	v4 =	vadd.s32 v1, v4;
	_ =	sdelay $0x1  }
0x35: {  	v3 =	vadd.s32 v1, v3;
	_ =	sdelay $0x2  }
0x36: {  	[tilespmem:s14], [sflag:$0x1] =	stream.indirect_vreg.gather [hbm4b:s3+s2], $0x80, v4, vm0, $0xb8;
	[tilespmem:$0x4080] =	vst v63  }
0x37: {  	_ = 	snop  }
0x38: {  	[tilespmem:s15], [sflag:$0x1] =	stream.indirect_vreg.gather [hbm4b:s3+s2], $0x80, v3, vm0, $0xb8;
	[tilespmem:$0x4080] =	vst v63  }
0x39: {  	_ =	swait.ge [sflag:s16], $0x4000  }
0x3a: {  	p0 =	sne.s32 s6, $0x1;
	[sflag:s16] =	ssyncset.done $0x0  }
.Ltmp0:
0x3b: {  	[sflag:s16] =	ssyncadd.s32 $0xFFFFC000;
	(pc) =	sbr.rel @p0 .LBB2_1-.Ltmp0, $4  }
0x3c: {  	[hbm4b:s5+s2] =	stream.linear.scatter [tilespmem:s8], [sflag:$0x2], $0x4000, $0x38;
	[tilespmem:$0x4080] =	vst v63  }
0x3d: {  	_ =	swait.ge [sflag:s7], $0x4000  }
0x3e: {  	[sflag:s7] =	ssyncset.done $0x0  }
0x3f: {  	s6 =	sadd.s32 $0xFFFFFFFF, s6;
	[sflag:s7] =	ssyncadd.s32 $0xFFFFC000  }
0x40: {  	_ =	sfence.sel $0x180000  }
0x41: {  	[bflag:$0x0] =	sbarrier.arrive $0xFFFF  }
0x42: {  	p0 =	sne.s32 s1, $0x0;
	_ =	strace $0x9000004A  }
0x43: {  	s0 =	sadd.s32 @!p0 $0x100000, s0;
	[bflag:$0x2] =	sbarrier.arrive $0xFFFF  }
0x44: {  	[sflag:s0] =	ssyncadd.tile.s32 @!p0 $0x1;
	_ =	shalt  }
.Lfunc_end2:
_tile_overlayer_lowered:
.L_overlay_start_2:
0x45: {  	(tag) =	ssettag $0x2  }
0x46: {  	s0 =	rddreg [dreg:$0x0];
	s2 =	stileid.u32  }
0x47: {  	s1 =	rddreg [dreg:$0x1];
	p0 =	sne.s32 s2, $0x0  }
0x48: {  	s3 =	rddreg [dreg:$0x2];
	[bflag:$0x3] =	sbarrier.arrive $0xFFFF;
	s2 =	simm.s32 @!p0 $0x1C02  }
0x49: {  	[timem:s3], [sflag:s2] =	dma.local @!p0 [hbm:s0], s1  }
0x4a: {  	s0 =	simm.s32 @!p0 $0x2  }
0x4b: {  	_ =	swait.ge @!p0 [sflag:s0], s1  }
0x4c: {  	s1 =	ssub.s32 @!p0 $0x0, s1;
	[sflag:s0] =	ssyncset.done @!p0 $0x0  }
0x4d: {  	[sflag:s0] =	ssyncadd.s32 @!p0 s1  }
0x4e: {  	[bflag:$0x3] =	sbarrier.arrive $0xFFFF  }
0x4f: {  	_ =	shalt  }

</sc_bundles>
